<compile_context>
chip_gen: v7x
topology: tpu7x:2x2x1
jax: 0.10.2.dev20260603
libtpu: 0.0.44.dev20260713+nightly
codegen_flags: <defaults>
</compile_context>

<pallas_src>
import functools

import jax
import jax.numpy as jnp
from jax import lax
from jax.experimental import pallas as pl
from jax.experimental.pallas import tpu as pltpu
from jax.experimental.pallas import tpu_sc as plsc

B = 16384
NL = 50
D = 32
NC = 2
NS = 16
NW = NC * NS
USERS_PER_W = B // NW
BLOCK_USERS = 32
N_BLOCKS = USERS_PER_W // BLOCK_USERS
ROWS_PER_BLOCK = BLOCK_USERS * NL
CHUNK = 128
N_CHUNKS = (ROWS_PER_BLOCK + CHUNK - 1) // CHUNK


def _body(uc_hbm, ic_hbm, ue_hbm, ie_hbm, out_hbm,
          idx_v, uidx_v, rows_v, u_v, out_v, sem_r, sem_u):
    wid = lax.axis_index("s") * NC + lax.axis_index("c")
    base_user = wid * USERS_PER_W
    lane = lax.iota(jnp.int32, 16)

    def gather_chunks(idxv, rowsv):
        copies = []
        for k in range(N_CHUNKS):
            start = k * CHUNK
            ln = min(CHUNK, ROWS_PER_BLOCK - start)
            copies.append((ie_hbm.at[idxv.at[pl.ds(start, ln)]],
                           rowsv.at[pl.ds(start, ln)]))
        return copies

    @pl.loop(0, N_BLOCKS)
    def block_loop(g):
        boff = base_user + g * BLOCK_USERS
        pltpu.sync_copy(ic_hbm.at[pl.ds(boff * NL, ROWS_PER_BLOCK)], idx_v)
        pltpu.sync_copy(uc_hbm.at[pl.ds(boff, BLOCK_USERS)], uidx_v)
        for src, dst in gather_chunks(idx_v, rows_v):
            pltpu.async_copy(src, dst, sem_r)
        pltpu.async_copy(ue_hbm.at[uidx_v], u_v, sem_u)
        for src, dst in gather_chunks(idx_v, rows_v):
            pltpu.make_async_copy(src, dst, sem_r).wait()
        pltpu.make_async_copy(ue_hbm.at[uidx_v], u_v, sem_u).wait()

        for s in range(BLOCK_USERS // 16):
            urow = lane + (16 * s)
            ucols = [
                plsc.load_gather(u_v, [urow, jnp.full((16,), d, jnp.int32)])
                for d in range(D)
            ]

            @plsc.parallel_loop(0, NL)
            def lbody(l, _urow=urow, _ucols=ucols, _s=s):
                row = lane * NL + (800 * _s + l)
                acc = jnp.zeros((16,), jnp.float32)
                for d in range(D):
                    col = plsc.load_gather(
                        rows_v, [row, jnp.full((16,), d, jnp.int32)])
                    acc = acc + col * _ucols[d]
                plsc.store_scatter(
                    out_v, [_urow, jnp.zeros((16,), jnp.int32) + l], acc)

        pltpu.sync_copy(out_v, out_hbm.at[pl.ds(boff, BLOCK_USERS)])


@jax.jit
def _mf(user_code, item_code_flat, user_emb, item_emb):
    f = pl.kernel(
        _body,
        out_type=jax.ShapeDtypeStruct((B, NL), jnp.float32),
        mesh=plsc.VectorSubcoreMesh(core_axis_name="c", subcore_axis_name="s"),
        compiler_params=pltpu.CompilerParams(
            needs_layout_passes=False, use_tc_tiling_on_sc=False),
        scratch_types=[
            pltpu.VMEM((ROWS_PER_BLOCK,), jnp.int32),
            pltpu.VMEM((BLOCK_USERS,), jnp.int32),
            pltpu.VMEM((ROWS_PER_BLOCK, D), jnp.float32),
            pltpu.VMEM((BLOCK_USERS, D), jnp.float32),
            pltpu.VMEM((BLOCK_USERS, NL), jnp.float32),
            pltpu.SemaphoreType.DMA,
            pltpu.SemaphoreType.DMA,
        ],
    )
    return f(user_code, item_code_flat, user_emb, item_emb)


def kernel(user_code, item_code, user_emb, item_emb):
    return _mf(user_code, item_code.reshape(-1), user_emb, item_emb)

# --- scband reference (transcript-rebuilt; emitter-appended) ---
"""Pipeline reference for scband-vanilla-mf-17600775979904 (READ-ONLY COPY).

The authoritative reference and input builder live on the scoring server;
editing this copy changes nothing except your own understanding.
"""

import jax, jax.numpy as jnp
import numpy as np

N_USERS = 1000000
N_ITEMS = 1000000
EMBED_DIM = 32
BATCH = 16384
L = 50


def setup_inputs(seed: int = 0) -> dict:
    key = jax.random.key(seed)
    k1, k2, k3, k4 = jax.random.split(key, 4)
    user_code = jax.random.randint(k1, (BATCH,), 0, N_USERS, dtype=jnp.int64 if jax.config.jax_enable_x64 else jnp.int32).astype(jnp.int32)
    item_code = jax.random.randint(k2, (BATCH, L), 0, N_ITEMS, dtype=jnp.int64 if jax.config.jax_enable_x64 else jnp.int32).astype(jnp.int32)
    user_emb = jax.random.normal(k3, (N_USERS, EMBED_DIM), dtype=jnp.float32) * 0.02
    item_emb = jax.random.normal(k4, (N_ITEMS, EMBED_DIM), dtype=jnp.float32) * 0.02
    return {"user_code": user_code, "item_code": item_code, "user_emb": user_emb, "item_emb": item_emb}


def reference(user_code, item_code, user_emb, item_emb):
    # VanillaMF forward with items provided (pointwise scoring branch):
    # logits = user_emb(users).unsqueeze(1).mul(item_emb(items)).sum(-1)
    u = jnp.take(user_emb, user_code, axis=0)          # [B, d]
    it = jnp.take(item_emb, item_code, axis=0)          # [B, L, d]
    logits = jnp.sum(u[:, None, :] * it, axis=-1)       # [B, L]
    return logits

if __name__ == "__main__":
    import jax
    _d = setup_inputs()
    print(jax.jit(kernel)(*tuple(_d.values())))

</pallas_src>

<mosaic_0001>
#map = affine_map<(d0, d1) -> (0)>
#map1 = affine_map<(d0, d1) -> (0, 0)>
module attributes {stable_mosaic.version = 14 : i64} {
  func.func @_body(%arg0: i32, %arg1: i32, %arg2: memref<16384xi32, #tpu.memory_space<hbm>>, %arg3: memref<819200xi32, #tpu.memory_space<hbm>>, %arg4: memref<1000000x32xf32, #tpu.memory_space<hbm>>, %arg5: memref<1000000x32xf32, #tpu.memory_space<hbm>>, %arg6: memref<16384x50xf32, #tpu.memory_space<hbm>>, %arg7: memref<1600xi32, #tpu.memory_space<vmem>>, %arg8: memref<32xi32, #tpu.memory_space<vmem>>, %arg9: memref<1600x32xf32, #tpu.memory_space<vmem>>, %arg10: memref<32x32xf32, #tpu.memory_space<vmem>>, %arg11: memref<32x50xf32, #tpu.memory_space<vmem>>, %arg12: memref<!tpu.dma_semaphore, #tpu.memory_space<semaphore_mem>>, %arg13: memref<!tpu.dma_semaphore, #tpu.memory_space<semaphore_mem>>) attributes {dimension_semantics = [#tpu.dimension_semantics<core_parallel>, #tpu.dimension_semantics<subcore_parallel>], iteration_bounds = array<i64: 2, 16>, scalar_prefetch = 0 : i64, scratch_operands = 7 : i64, tpu.core_type = #tpu.core_type<sc_vector_subcore>, window_params = [{transform_indices = #map}, {transform_indices = #map}, {transform_indices = #map1}, {transform_indices = #map1}, {transform_indices = #map1}]} {
    %mul3A = arith.constant 2 : i32
    %mul3A_0 = arith.muli %arg1, %mul3A : i32
    %add3A = arith.addi %mul3A_0, %arg0 : i32
    %mul3A_1 = arith.constant 512 : i32
    %mul3A_2 = arith.muli %add3A, %mul3A_1 : i32
    %iota3A = tpu.iota {dimensions = array<i32: 0>} : vector<16xi32>
    %scan3A = arith.constant 0 : i32
    %scan3A_3 = arith.constant 16 : i32
    %scan3A_4 = arith.addi %scan3A, %scan3A_3 : i32
    %scan3A_5 = arith.constant 1 : i32
    scf.for %scan3A_7 = %scan3A to %scan3A_4 step %scan3A_5  : i32 {
      %mul3A_8 = arith.constant 1 : i32
      %mul3A_9 = arith.muli %scan3A_7, %mul3A_8 : i32
      %add3A_10 = arith.constant 0 : i32
      %add3A_11 = arith.addi %add3A_10, %mul3A_9 : i32
      %mul3A_12 = arith.constant 32 : i32
      %mul3A_13 = arith.muli %add3A_11, %mul3A_12 : i32
      %add3A_14 = arith.addi %mul3A_2, %mul3A_13 : i32
      %mul3A_15 = arith.constant 50 : i32
      %mul3A_16 = arith.muli %add3A_14, %mul3A_15 : i32
      "tpu.region"() ({
        %run_scoped3A = tpu.sem_alloc : memref<!tpu.dma_semaphore, #tpu.memory_space<semaphore_mem>>
        %dma_start3A_430 = tpu.memref_slice %arg3[%mul3A_16] : memref<819200xi32, #tpu.memory_space<hbm>> -> memref<1600xi32, #tpu.memory_space<hbm>>
        %dma_start3A_431 = tpu.memref_slice %arg3[%mul3A_16] : memref<819200xi32, #tpu.memory_space<hbm>> -> memref<1600xi32, #tpu.memory_space<hbm>>
        tpu.enqueue_dma source(%dma_start3A_431 : memref<1600xi32, #tpu.memory_space<hbm>>) target(%arg7 : memref<1600xi32, #tpu.memory_space<vmem>>) target_semaphore(%run_scoped3A : memref<!tpu.dma_semaphore, #tpu.memory_space<semaphore_mem>>)
        %dma_wait3A_432 = tpu.memref_slice %arg3[%mul3A_16] : memref<819200xi32, #tpu.memory_space<hbm>> -> memref<1600xi32, #tpu.memory_space<hbm>>
        %dma_wait3A_433 = tpu.memref_slice %arg3[%mul3A_16] : memref<819200xi32, #tpu.memory_space<hbm>> -> memref<1600xi32, #tpu.memory_space<hbm>>
        tpu.wait_dma2 semaphore(%run_scoped3A : memref<!tpu.dma_semaphore, #tpu.memory_space<semaphore_mem>>) src(%dma_wait3A_433 : memref<1600xi32, #tpu.memory_space<hbm>>) dst(%arg7 : memref<1600xi32, #tpu.memory_space<vmem>>)
        tpu.yield
      }) : () -> ()
      "tpu.region"() ({
        %run_scoped3A = tpu.sem_alloc : memref<!tpu.dma_semaphore, #tpu.memory_space<semaphore_mem>>
        %dma_start3A_430 = tpu.memref_slice %arg2[%add3A_14] : memref<16384xi32, #tpu.memory_space<hbm>> -> memref<32xi32, #tpu.memory_space<hbm>>
        %dma_start3A_431 = tpu.memref_slice %arg2[%add3A_14] : memref<16384xi32, #tpu.memory_space<hbm>> -> memref<32xi32, #tpu.memory_space<hbm>>
        tpu.enqueue_dma source(%dma_start3A_431 : memref<32xi32, #tpu.memory_space<hbm>>) target(%arg8 : memref<32xi32, #tpu.memory_space<vmem>>) target_semaphore(%run_scoped3A : memref<!tpu.dma_semaphore, #tpu.memory_space<semaphore_mem>>)
        %dma_wait3A_432 = tpu.memref_slice %arg2[%add3A_14] : memref<16384xi32, #tpu.memory_space<hbm>> -> memref<32xi32, #tpu.memory_space<hbm>>
        %dma_wait3A_433 = tpu.memref_slice %arg2[%add3A_14] : memref<16384xi32, #tpu.memory_space<hbm>> -> memref<32xi32, #tpu.memory_space<hbm>>
        tpu.wait_dma2 semaphore(%run_scoped3A : memref<!tpu.dma_semaphore, #tpu.memory_space<semaphore_mem>>) src(%dma_wait3A_433 : memref<32xi32, #tpu.memory_space<hbm>>) dst(%arg8 : memref<32xi32, #tpu.memory_space<vmem>>)
        tpu.yield
      }) : () -> ()
      %dma_start3A = arith.constant 0 : i32
      %dma_start3A_17 = arith.constant 0 : i32
      %dma_start3A_18 = tpu.memref_slice %arg9[%dma_start3A, %dma_start3A_17] : memref<1600x32xf32, #tpu.memory_space<vmem>> -> memref<128x32xf32, #tpu.memory_space<vmem>>
      %dma_start3A_19 = arith.constant 0 : i32
      %dma_start3A_20 = tpu.memref_slice %arg7[%dma_start3A_19] : memref<1600xi32, #tpu.memory_space<vmem>> -> memref<128xi32, #tpu.memory_space<vmem>>
      %dma_start3A_21 = arith.constant 0 : i32
      %dma_start3A_22 = arith.constant 0 : i32
      %dma_start3A_23 = tpu.memref_slice %arg5[%dma_start3A_21, %dma_start3A_22] : memref<1000000x32xf32, #tpu.memory_space<hbm>> -> memref<1000000x32xf32, #tpu.memory_space<hbm>>
      tpu.enqueue_indirect_dma source(%dma_start3A_23 : memref<1000000x32xf32, #tpu.memory_space<hbm>>) target(%dma_start3A_18 : memref<128x32xf32, #tpu.memory_space<vmem>>) offsets(%dma_start3A_20 : memref<128xi32, #tpu.memory_space<vmem>>) semaphore(%arg12 : memref<!tpu.dma_semaphore, #tpu.memory_space<semaphore_mem>>)
      %dma_start3A_24 = arith.constant 128 : i32
      %dma_start3A_25 = arith.constant 0 : i32
      %dma_start3A_26 = tpu.memref_slice %arg9[%dma_start3A_24, %dma_start3A_25] : memref<1600x32xf32, #tpu.memory_space<vmem>> -> memref<128x32xf32, #tpu.memory_space<vmem>>
      %dma_start3A_27 = arith.constant 128 : i32
      %dma_start3A_28 = tpu.memref_slice %arg7[%dma_start3A_27] : memref<1600xi32, #tpu.memory_space<vmem>> -> memref<128xi32, #tpu.memory_space<vmem>>
      %dma_start3A_29 = arith.constant 0 : i32
      %dma_start3A_30 = arith.constant 0 : i32
      %dma_start3A_31 = tpu.memref_slice %arg5[%dma_start3A_29, %dma_start3A_30] : memref<1000000x32xf32, #tpu.memory_space<hbm>> -> memref<1000000x32xf32, #tpu.memory_space<hbm>>
      tpu.enqueue_indirect_dma source(%dma_start3A_31 : memref<1000000x32xf32, #tpu.memory_space<hbm>>) target(%dma_start3A_26 : memref<128x32xf32, #tpu.memory_space<vmem>>) offsets(%dma_start3A_28 : memref<128xi32, #tpu.memory_space<vmem>>) semaphore(%arg12 : memref<!tpu.dma_semaphore, #tpu.memory_space<semaphore_mem>>)
      %dma_start3A_32 = arith.constant 256 : i32
      %dma_start3A_33 = arith.constant 0 : i32
      %dma_start3A_34 = tpu.memref_slice %arg9[%dma_start3A_32, %dma_start3A_33] : memref<1600x32xf32, #tpu.memory_space<vmem>> -> memref<128x32xf32, #tpu.memory_space<vmem>>
      %dma_start3A_35 = arith.constant 256 : i32
      %dma_start3A_36 = tpu.memref_slice %arg7[%dma_start3A_35] : memref<1600xi32, #tpu.memory_space<vmem>> -> memref<128xi32, #tpu.memory_space<vmem>>
      %dma_start3A_37 = arith.constant 0 : i32
      %dma_start3A_38 = arith.constant 0 : i32
      %dma_start3A_39 = tpu.memref_slice %arg5[%dma_start3A_37, %dma_start3A_38] : memref<1000000x32xf32, #tpu.memory_space<hbm>> -> memref<1000000x32xf32, #tpu.memory_space<hbm>>
      tpu.enqueue_indirect_dma source(%dma_start3A_39 : memref<1000000x32xf32, #tpu.memory_space<hbm>>) target(%dma_start3A_34 : memref<128x32xf32, #tpu.memory_space<vmem>>) offsets(%dma_start3A_36 : memref<128xi32, #tpu.memory_space<vmem>>) semaphore(%arg12 : memref<!tpu.dma_semaphore, #tpu.memory_space<semaphore_mem>>)
      %dma_start3A_40 = arith.constant 384 : i32
      %dma_start3A_41 = arith.constant 0 : i32
      %dma_start3A_42 = tpu.memref_slice %arg9[%dma_start3A_40, %dma_start3A_41] : memref<1600x32xf32, #tpu.memory_space<vmem>> -> memref<128x32xf32, #tpu.memory_space<vmem>>
      %dma_start3A_43 = arith.constant 384 : i32
      %dma_start3A_44 = tpu.memref_slice %arg7[%dma_start3A_43] : memref<1600xi32, #tpu.memory_space<vmem>> -> memref<128xi32, #tpu.memory_space<vmem>>
      %dma_start3A_45 = arith.constant 0 : i32
      %dma_start3A_46 = arith.constant 0 : i32
      %dma_start3A_47 = tpu.memref_slice %arg5[%dma_start3A_45, %dma_start3A_46] : memref<1000000x32xf32, #tpu.memory_space<hbm>> -> memref<1000000x32xf32, #tpu.memory_space<hbm>>
      tpu.enqueue_indirect_dma source(%dma_start3A_47 : memref<1000000x32xf32, #tpu.memory_space<hbm>>) target(%dma_start3A_42 : memref<128x32xf32, #tpu.memory_space<vmem>>) offsets(%dma_start3A_44 : memref<128xi32, #tpu.memory_space<vmem>>) semaphore(%arg12 : memref<!tpu.dma_semaphore, #tpu.memory_space<semaphore_mem>>)
      %dma_start3A_48 = arith.constant 512 : i32
      %dma_start3A_49 = arith.constant 0 : i32
      %dma_start3A_50 = tpu.memref_slice %arg9[%dma_start3A_48, %dma_start3A_49] : memref<1600x32xf32, #tpu.memory_space<vmem>> -> memref<128x32xf32, #tpu.memory_space<vmem>>
      %dma_start3A_51 = arith.constant 512 : i32
      %dma_start3A_52 = tpu.memref_slice %arg7[%dma_start3A_51] : memref<1600xi32, #tpu.memory_space<vmem>> -> memref<128xi32, #tpu.memory_space<vmem>>
      %dma_start3A_53 = arith.constant 0 : i32
      %dma_start3A_54 = arith.constant 0 : i32
      %dma_start3A_55 = tpu.memref_slice %arg5[%dma_start3A_53, %dma_start3A_54] : memref<1000000x32xf32, #tpu.memory_space<hbm>> -> memref<1000000x32xf32, #tpu.memory_space<hbm>>
      tpu.enqueue_indirect_dma source(%dma_start3A_55 : memref<1000000x32xf32, #tpu.memory_space<hbm>>) target(%dma_start3A_50 : memref<128x32xf32, #tpu.memory_space<vmem>>) offsets(%dma_start3A_52 : memref<128xi32, #tpu.memory_space<vmem>>) semaphore(%arg12 : memref<!tpu.dma_semaphore, #tpu.memory_space<semaphore_mem>>)
      %dma_start3A_56 = arith.constant 640 : i32
      %dma_start3A_57 = arith.constant 0 : i32
      %dma_start3A_58 = tpu.memref_slice %arg9[%dma_start3A_56, %dma_start3A_57] : memref<1600x32xf32, #tpu.memory_space<vmem>> -> memref<128x32xf32, #tpu.memory_space<vmem>>
      %dma_start3A_59 = arith.constant 640 : i32
      %dma_start3A_60 = tpu.memref_slice %arg7[%dma_start3A_59] : memref<1600xi32, #tpu.memory_space<vmem>> -> memref<128xi32, #tpu.memory_space<vmem>>
      %dma_start3A_61 = arith.constant 0 : i32
      %dma_start3A_62 = arith.constant 0 : i32
      %dma_start3A_63 = tpu.memref_slice %arg5[%dma_start3A_61, %dma_start3A_62] : memref<1000000x32xf32, #tpu.memory_space<hbm>> -> memref<1000000x32xf32, #tpu.memory_space<hbm>>
      tpu.enqueue_indirect_dma source(%dma_start3A_63 : memref<1000000x32xf32, #tpu.memory_space<hbm>>) target(%dma_start3A_58 : memref<128x32xf32, #tpu.memory_space<vmem>>) offsets(%dma_start3A_60 : memref<128xi32, #tpu.memory_space<vmem>>) semaphore(%arg12 : memref<!tpu.dma_semaphore, #tpu.memory_space<semaphore_mem>>)
      %dma_start3A_64 = arith.constant 768 : i32
      %dma_start3A_65 = arith.constant 0 : i32
      %dma_start3A_66 = tpu.memref_slice %arg9[%dma_start3A_64, %dma_start3A_65] : memref<1600x32xf32, #tpu.memory_space<vmem>> -> memref<128x32xf32, #tpu.memory_space<vmem>>
      %dma_start3A_67 = arith.constant 768 : i32
      %dma_start3A_68 = tpu.memref_slice %arg7[%dma_start3A_67] : memref<1600xi32, #tpu.memory_space<vmem>> -> memref<128xi32, #tpu.memory_space<vmem>>
      %dma_start3A_69 = arith.constant 0 : i32
      %dma_start3A_70 = arith.constant 0 : i32
      %dma_start3A_71 = tpu.memref_slice %arg5[%dma_start3A_69, %dma_start3A_70] : memref<1000000x32xf32, #tpu.memory_space<hbm>> -> memref<1000000x32xf32, #tpu.memory_space<hbm>>
      tpu.enqueue_indirect_dma source(%dma_start3A_71 : memref<1000000x32xf32, #tpu.memory_space<hbm>>) target(%dma_start3A_66 : memref<128x32xf32, #tpu.memory_space<vmem>>) offsets(%dma_start3A_68 : memref<128xi32, #tpu.memory_space<vmem>>) semaphore(%arg12 : memref<!tpu.dma_semaphore, #tpu.memory_space<semaphore_mem>>)
      %dma_start3A_72 = arith.constant 896 : i32
      %dma_start3A_73 = arith.constant 0 : i32
      %dma_start3A_74 = tpu.memref_slice %arg9[%dma_start3A_72, %dma_start3A_73] : memref<1600x32xf32, #tpu.memory_space<vmem>> -> memref<128x32xf32, #tpu.memory_space<vmem>>
      %dma_start3A_75 = arith.constant 896 : i32
      %dma_start3A_76 = tpu.memref_slice %arg7[%dma_start3A_75] : memref<1600xi32, #tpu.memory_space<vmem>> -> memref<128xi32, #tpu.memory_space<vmem>>
      %dma_start3A_77 = arith.constant 0 : i32
      %dma_start3A_78 = arith.constant 0 : i32
      %dma_start3A_79 = tpu.memref_slice %arg5[%dma_start3A_77, %dma_start3A_78] : memref<1000000x32xf32, #tpu.memory_space<hbm>> -> memref<1000000x32xf32, #tpu.memory_space<hbm>>
      tpu.enqueue_indirect_dma source(%dma_start3A_79 : memref<1000000x32xf32, #tpu.memory_space<hbm>>) target(%dma_start3A_74 : memref<128x32xf32, #tpu.memory_space<vmem>>) offsets(%dma_start3A_76 : memref<128xi32, #tpu.memory_space<vmem>>) semaphore(%arg12 : memref<!tpu.dma_semaphore, #tpu.memory_space<semaphore_mem>>)
      %dma_start3A_80 = arith.constant 1024 : i32
      %dma_start3A_81 = arith.constant 0 : i32
      %dma_start3A_82 = tpu.memref_slice %arg9[%dma_start3A_80, %dma_start3A_81] : memref<1600x32xf32, #tpu.memory_space<vmem>> -> memref<128x32xf32, #tpu.memory_space<vmem>>
      %dma_start3A_83 = arith.constant 1024 : i32
      %dma_start3A_84 = tpu.memref_slice %arg7[%dma_start3A_83] : memref<1600xi32, #tpu.memory_space<vmem>> -> memref<128xi32, #tpu.memory_space<vmem>>
      %dma_start3A_85 = arith.constant 0 : i32
      %dma_start3A_86 = arith.constant 0 : i32
      %dma_start3A_87 = tpu.memref_slice %arg5[%dma_start3A_85, %dma_start3A_86] : memref<1000000x32xf32, #tpu.memory_space<hbm>> -> memref<1000000x32xf32, #tpu.memory_space<hbm>>
      tpu.enqueue_indirect_dma source(%dma_start3A_87 : memref<1000000x32xf32, #tpu.memory_space<hbm>>) target(%dma_start3A_82 : memref<128x32xf32, #tpu.memory_space<vmem>>) offsets(%dma_start3A_84 : memref<128xi32, #tpu.memory_space<vmem>>) semaphore(%arg12 : memref<!tpu.dma_semaphore, #tpu.memory_space<semaphore_mem>>)
      %dma_start3A_88 = arith.constant 1152 : i32
      %dma_start3A_89 = arith.constant 0 : i32
      %dma_start3A_90 = tpu.memref_slice %arg9[%dma_start3A_88, %dma_start3A_89] : memref<1600x32xf32, #tpu.memory_space<vmem>> -> memref<128x32xf32, #tpu.memory_space<vmem>>
      %dma_start3A_91 = arith.constant 1152 : i32
      %dma_start3A_92 = tpu.memref_slice %arg7[%dma_start3A_91] : memref<1600xi32, #tpu.memory_space<vmem>> -> memref<128xi32, #tpu.memory_space<vmem>>
      %dma_start3A_93 = arith.constant 0 : i32
      %dma_start3A_94 = arith.constant 0 : i32
      %dma_start3A_95 = tpu.memref_slice %arg5[%dma_start3A_93, %dma_start3A_94] : memref<1000000x32xf32, #tpu.memory_space<hbm>> -> memref<1000000x32xf32, #tpu.memory_space<hbm>>
      tpu.enqueue_indirect_dma source(%dma_start3A_95 : memref<1000000x32xf32, #tpu.memory_space<hbm>>) target(%dma_start3A_90 : memref<128x32xf32, #tpu.memory_space<vmem>>) offsets(%dma_start3A_92 : memref<128xi32, #tpu.memory_space<vmem>>) semaphore(%arg12 : memref<!tpu.dma_semaphore, #tpu.memory_space<semaphore_mem>>)
      %dma_start3A_96 = arith.constant 1280 : i32
      %dma_start3A_97 = arith.constant 0 : i32
      %dma_start3A_98 = tpu.memref_slice %arg9[%dma_start3A_96, %dma_start3A_97] : memref<1600x32xf32, #tpu.memory_space<vmem>> -> memref<128x32xf32, #tpu.memory_space<vmem>>
      %dma_start3A_99 = arith.constant 1280 : i32
      %dma_start3A_100 = tpu.memref_slice %arg7[%dma_start3A_99] : memref<1600xi32, #tpu.memory_space<vmem>> -> memref<128xi32, #tpu.memory_space<vmem>>
      %dma_start3A_101 = arith.constant 0 : i32
      %dma_start3A_102 = arith.constant 0 : i32
      %dma_start3A_103 = tpu.memref_slice %arg5[%dma_start3A_101, %dma_start3A_102] : memref<1000000x32xf32, #tpu.memory_space<hbm>> -> memref<1000000x32xf32, #tpu.memory_space<hbm>>
      tpu.enqueue_indirect_dma source(%dma_start3A_103 : memref<1000000x32xf32, #tpu.memory_space<hbm>>) target(%dma_start3A_98 : memref<128x32xf32, #tpu.memory_space<vmem>>) offsets(%dma_start3A_100 : memref<128xi32, #tpu.memory_space<vmem>>) semaphore(%arg12 : memref<!tpu.dma_semaphore, #tpu.memory_space<semaphore_mem>>)
      %dma_start3A_104 = arith.constant 1408 : i32
      %dma_start3A_105 = arith.constant 0 : i32
      %dma_start3A_106 = tpu.memref_slice %arg9[%dma_start3A_104, %dma_start3A_105] : memref<1600x32xf32, #tpu.memory_space<vmem>> -> memref<128x32xf32, #tpu.memory_space<vmem>>
      %dma_start3A_107 = arith.constant 1408 : i32
      %dma_start3A_108 = tpu.memref_slice %arg7[%dma_start3A_107] : memref<1600xi32, #tpu.memory_space<vmem>> -> memref<128xi32, #tpu.memory_space<vmem>>
      %dma_start3A_109 = arith.constant 0 : i32
      %dma_start3A_110 = arith.constant 0 : i32
      %dma_start3A_111 = tpu.memref_slice %arg5[%dma_start3A_109, %dma_start3A_110] : memref<1000000x32xf32, #tpu.memory_space<hbm>> -> memref<1000000x32xf32, #tpu.memory_space<hbm>>
      tpu.enqueue_indirect_dma source(%dma_start3A_111 : memref<1000000x32xf32, #tpu.memory_space<hbm>>) target(%dma_start3A_106 : memref<128x32xf32, #tpu.memory_space<vmem>>) offsets(%dma_start3A_108 : memref<128xi32, #tpu.memory_space<vmem>>) semaphore(%arg12 : memref<!tpu.dma_semaphore, #tpu.memory_space<semaphore_mem>>)
      %dma_start3A_112 = arith.constant 1536 : i32
      %dma_start3A_113 = arith.constant 0 : i32
      %dma_start3A_114 = tpu.memref_slice %arg9[%dma_start3A_112, %dma_start3A_113] : memref<1600x32xf32, #tpu.memory_space<vmem>> -> memref<64x32xf32, #tpu.memory_space<vmem>>
      %dma_start3A_115 = arith.constant 1536 : i32
      %dma_start3A_116 = tpu.memref_slice %arg7[%dma_start3A_115] : memref<1600xi32, #tpu.memory_space<vmem>> -> memref<64xi32, #tpu.memory_space<vmem>>
      %dma_start3A_117 = arith.constant 0 : i32
      %dma_start3A_118 = arith.constant 0 : i32
      %dma_start3A_119 = tpu.memref_slice %arg5[%dma_start3A_117, %dma_start3A_118] : memref<1000000x32xf32, #tpu.memory_space<hbm>> -> memref<1000000x32xf32, #tpu.memory_space<hbm>>
      tpu.enqueue_indirect_dma source(%dma_start3A_119 : memref<1000000x32xf32, #tpu.memory_space<hbm>>) target(%dma_start3A_114 : memref<64x32xf32, #tpu.memory_space<vmem>>) offsets(%dma_start3A_116 : memref<64xi32, #tpu.memory_space<vmem>>) semaphore(%arg12 : memref<!tpu.dma_semaphore, #tpu.memory_space<semaphore_mem>>)
      %dma_start3A_120 = arith.constant 0 : i32
      %dma_start3A_121 = arith.constant 0 : i32
      %dma_start3A_122 = tpu.memref_slice %arg4[%dma_start3A_120, %dma_start3A_121] : memref<1000000x32xf32, #tpu.memory_space<hbm>> -> memref<1000000x32xf32, #tpu.memory_space<hbm>>
      tpu.enqueue_indirect_dma source(%dma_start3A_122 : memref<1000000x32xf32, #tpu.memory_space<hbm>>) target(%arg10 : memref<32x32xf32, #tpu.memory_space<vmem>>) offsets(%arg8 : memref<32xi32, #tpu.memory_space<vmem>>) semaphore(%arg13 : memref<!tpu.dma_semaphore, #tpu.memory_space<semaphore_mem>>)
      %dma_wait3A = arith.constant 0 : i32
      %dma_wait3A_123 = arith.constant 0 : i32
      %dma_wait3A_124 = tpu.memref_slice %arg9[%dma_wait3A, %dma_wait3A_123] : memref<1600x32xf32, #tpu.memory_space<vmem>> -> memref<128x32xf32, #tpu.memory_space<vmem>>
      %dma_wait3A_125 = arith.constant 0 : i32
      %dma_wait3A_126 = tpu.memref_slice %arg7[%dma_wait3A_125] : memref<1600xi32, #tpu.memory_space<vmem>> -> memref<128xi32, #tpu.memory_space<vmem>>
      %dma_wait3A_127 = arith.constant 0 : i32
      %dma_wait3A_128 = arith.constant 0 : i32
      %dma_wait3A_129 = tpu.memref_slice %arg5[%dma_wait3A_127, %dma_wait3A_128] : memref<1000000x32xf32, #tpu.memory_space<hbm>> -> memref<1000000x32xf32, #tpu.memory_space<hbm>>
      tpu.wait_indirect_dma semaphore(%arg12 : memref<!tpu.dma_semaphore, #tpu.memory_space<semaphore_mem>>) src(%dma_wait3A_129 : memref<1000000x32xf32, #tpu.memory_space<hbm>>) dst(%dma_wait3A_124 : memref<128x32xf32, #tpu.memory_space<vmem>>)
      %dma_wait3A_130 = arith.constant 128 : i32
      %dma_wait3A_131 = arith.constant 0 : i32
      %dma_wait3A_132 = tpu.memref_slice %arg9[%dma_wait3A_130, %dma_wait3A_131] : memref<1600x32xf32, #tpu.memory_space<vmem>> -> memref<128x32xf32, #tpu.memory_space<vmem>>
      %dma_wait3A_133 = arith.constant 128 : i32
      %dma_wait3A_134 = tpu.memref_slice %arg7[%dma_wait3A_133] : memref<1600xi32, #tpu.memory_space<vmem>> -> memref<128xi32, #tpu.memory_space<vmem>>
      %dma_wait3A_135 = arith.constant 0 : i32
      %dma_wait3A_136 = arith.constant 0 : i32
      %dma_wait3A_137 = tpu.memref_slice %arg5[%dma_wait3A_135, %dma_wait3A_136] : memref<1000000x32xf32, #tpu.memory_space<hbm>> -> memref<1000000x32xf32, #tpu.memory_space<hbm>>
      tpu.wait_indirect_dma semaphore(%arg12 : memref<!tpu.dma_semaphore, #tpu.memory_space<semaphore_mem>>) src(%dma_wait3A_137 : memref<1000000x32xf32, #tpu.memory_space<hbm>>) dst(%dma_wait3A_132 : memref<128x32xf32, #tpu.memory_space<vmem>>)
      %dma_wait3A_138 = arith.constant 256 : i32
      %dma_wait3A_139 = arith.constant 0 : i32
      %dma_wait3A_140 = tpu.memref_slice %arg9[%dma_wait3A_138, %dma_wait3A_139] : memref<1600x32xf32, #tpu.memory_space<vmem>> -> memref<128x32xf32, #tpu.memory_space<vmem>>
      %dma_wait3A_141 = arith.constant 256 : i32
      %dma_wait3A_142 = tpu.memref_slice %arg7[%dma_wait3A_141] : memref<1600xi32, #tpu.memory_space<vmem>> -> memref<128xi32, #tpu.memory_space<vmem>>
      %dma_wait3A_143 = arith.constant 0 : i32
      %dma_wait3A_144 = arith.constant 0 : i32
      %dma_wait3A_145 = tpu.memref_slice %arg5[%dma_wait3A_143, %dma_wait3A_144] : memref<1000000x32xf32, #tpu.memory_space<hbm>> -> memref<1000000x32xf32, #tpu.memory_space<hbm>>
      tpu.wait_indirect_dma semaphore(%arg12 : memref<!tpu.dma_semaphore, #tpu.memory_space<semaphore_mem>>) src(%dma_wait3A_145 : memref<1000000x32xf32, #tpu.memory_space<hbm>>) dst(%dma_wait3A_140 : memref<128x32xf32, #tpu.memory_space<vmem>>)
      %dma_wait3A_146 = arith.constant 384 : i32
      %dma_wait3A_147 = arith.constant 0 : i32
      %dma_wait3A_148 = tpu.memref_slice %arg9[%dma_wait3A_146, %dma_wait3A_147] : memref<1600x32xf32, #tpu.memory_space<vmem>> -> memref<128x32xf32, #tpu.memory_space<vmem>>
      %dma_wait3A_149 = arith.constant 384 : i32
      %dma_wait3A_150 = tpu.memref_slice %arg7[%dma_wait3A_149] : memref<1600xi32, #tpu.memory_space<vmem>> -> memref<128xi32, #tpu.memory_space<vmem>>
      %dma_wait3A_151 = arith.constant 0 : i32
      %dma_wait3A_152 = arith.constant 0 : i32
      %dma_wait3A_153 = tpu.memref_slice %arg5[%dma_wait3A_151, %dma_wait3A_152] : memref<1000000x32xf32, #tpu.memory_space<hbm>> -> memref<1000000x32xf32, #tpu.memory_space<hbm>>
      tpu.wait_indirect_dma semaphore(%arg12 : memref<!tpu.dma_semaphore, #tpu.memory_space<semaphore_mem>>) src(%dma_wait3A_153 : memref<1000000x32xf32, #tpu.memory_space<hbm>>) dst(%dma_wait3A_148 : memref<128x32xf32, #tpu.memory_space<vmem>>)
      %dma_wait3A_154 = arith.constant 512 : i32
      %dma_wait3A_155 = arith.constant 0 : i32
      %dma_wait3A_156 = tpu.memref_slice %arg9[%dma_wait3A_154, %dma_wait3A_155] : memref<1600x32xf32, #tpu.memory_space<vmem>> -> memref<128x32xf32, #tpu.memory_space<vmem>>
      %dma_wait3A_157 = arith.constant 512 : i32
      %dma_wait3A_158 = tpu.memref_slice %arg7[%dma_wait3A_157] : memref<1600xi32, #tpu.memory_space<vmem>> -> memref<128xi32, #tpu.memory_space<vmem>>
      %dma_wait3A_159 = arith.constant 0 : i32
      %dma_wait3A_160 = arith.constant 0 : i32
      %dma_wait3A_161 = tpu.memref_slice %arg5[%dma_wait3A_159, %dma_wait3A_160] : memref<1000000x32xf32, #tpu.memory_space<hbm>> -> memref<1000000x32xf32, #tpu.memory_space<hbm>>
      tpu.wait_indirect_dma semaphore(%arg12 : memref<!tpu.dma_semaphore, #tpu.memory_space<semaphore_mem>>) src(%dma_wait3A_161 : memref<1000000x32xf32, #tpu.memory_space<hbm>>) dst(%dma_wait3A_156 : memref<128x32xf32, #tpu.memory_space<vmem>>)
      %dma_wait3A_162 = arith.constant 640 : i32
      %dma_wait3A_163 = arith.constant 0 : i32
      %dma_wait3A_164 = tpu.memref_slice %arg9[%dma_wait3A_162, %dma_wait3A_163] : memref<1600x32xf32, #tpu.memory_space<vmem>> -> memref<128x32xf32, #tpu.memory_space<vmem>>
      %dma_wait3A_165 = arith.constant 640 : i32
      %dma_wait3A_166 = tpu.memref_slice %arg7[%dma_wait3A_165] : memref<1600xi32, #tpu.memory_space<vmem>> -> memref<128xi32, #tpu.memory_space<vmem>>
      %dma_wait3A_167 = arith.constant 0 : i32
      %dma_wait3A_168 = arith.constant 0 : i32
      %dma_wait3A_169 = tpu.memref_slice %arg5[%dma_wait3A_167, %dma_wait3A_168] : memref<1000000x32xf32, #tpu.memory_space<hbm>> -> memref<1000000x32xf32, #tpu.memory_space<hbm>>
      tpu.wait_indirect_dma semaphore(%arg12 : memref<!tpu.dma_semaphore, #tpu.memory_space<semaphore_mem>>) src(%dma_wait3A_169 : memref<1000000x32xf32, #tpu.memory_space<hbm>>) dst(%dma_wait3A_164 : memref<128x32xf32, #tpu.memory_space<vmem>>)
      %dma_wait3A_170 = arith.constant 768 : i32
      %dma_wait3A_171 = arith.constant 0 : i32
      %dma_wait3A_172 = tpu.memref_slice %arg9[%dma_wait3A_170, %dma_wait3A_171] : memref<1600x32xf32, #tpu.memory_space<vmem>> -> memref<128x32xf32, #tpu.memory_space<vmem>>
      %dma_wait3A_173 = arith.constant 768 : i32
      %dma_wait3A_174 = tpu.memref_slice %arg7[%dma_wait3A_173] : memref<1600xi32, #tpu.memory_space<vmem>> -> memref<128xi32, #tpu.memory_space<vmem>>
      %dma_wait3A_175 = arith.constant 0 : i32
      %dma_wait3A_176 = arith.constant 0 : i32
      %dma_wait3A_177 = tpu.memref_slice %arg5[%dma_wait3A_175, %dma_wait3A_176] : memref<1000000x32xf32, #tpu.memory_space<hbm>> -> memref<1000000x32xf32, #tpu.memory_space<hbm>>
      tpu.wait_indirect_dma semaphore(%arg12 : memref<!tpu.dma_semaphore, #tpu.memory_space<semaphore_mem>>) src(%dma_wait3A_177 : memref<1000000x32xf32, #tpu.memory_space<hbm>>) dst(%dma_wait3A_172 : memref<128x32xf32, #tpu.memory_space<vmem>>)
      %dma_wait3A_178 = arith.constant 896 : i32
      %dma_wait3A_179 = arith.constant 0 : i32
      %dma_wait3A_180 = tpu.memref_slice %arg9[%dma_wait3A_178, %dma_wait3A_179] : memref<1600x32xf32, #tpu.memory_space<vmem>> -> memref<128x32xf32, #tpu.memory_space<vmem>>
      %dma_wait3A_181 = arith.constant 896 : i32
      %dma_wait3A_182 = tpu.memref_slice %arg7[%dma_wait3A_181] : memref<1600xi32, #tpu.memory_space<vmem>> -> memref<128xi32, #tpu.memory_space<vmem>>
      %dma_wait3A_183 = arith.constant 0 : i32
      %dma_wait3A_184 = arith.constant 0 : i32
      %dma_wait3A_185 = tpu.memref_slice %arg5[%dma_wait3A_183, %dma_wait3A_184] : memref<1000000x32xf32, #tpu.memory_space<hbm>> -> memref<1000000x32xf32, #tpu.memory_space<hbm>>
      tpu.wait_indirect_dma semaphore(%arg12 : memref<!tpu.dma_semaphore, #tpu.memory_space<semaphore_mem>>) src(%dma_wait3A_185 : memref<1000000x32xf32, #tpu.memory_space<hbm>>) dst(%dma_wait3A_180 : memref<128x32xf32, #tpu.memory_space<vmem>>)
      %dma_wait3A_186 = arith.constant 1024 : i32
      %dma_wait3A_187 = arith.constant 0 : i32
      %dma_wait3A_188 = tpu.memref_slice %arg9[%dma_wait3A_186, %dma_wait3A_187] : memref<1600x32xf32, #tpu.memory_space<vmem>> -> memref<128x32xf32, #tpu.memory_space<vmem>>
      %dma_wait3A_189 = arith.constant 1024 : i32
      %dma_wait3A_190 = tpu.memref_slice %arg7[%dma_wait3A_189] : memref<1600xi32, #tpu.memory_space<vmem>> -> memref<128xi32, #tpu.memory_space<vmem>>
      %dma_wait3A_191 = arith.constant 0 : i32
      %dma_wait3A_192 = arith.constant 0 : i32
      %dma_wait3A_193 = tpu.memref_slice %arg5[%dma_wait3A_191, %dma_wait3A_192] : memref<1000000x32xf32, #tpu.memory_space<hbm>> -> memref<1000000x32xf32, #tpu.memory_space<hbm>>
      tpu.wait_indirect_dma semaphore(%arg12 : memref<!tpu.dma_semaphore, #tpu.memory_space<semaphore_mem>>) src(%dma_wait3A_193 : memref<1000000x32xf32, #tpu.memory_space<hbm>>) dst(%dma_wait3A_188 : memref<128x32xf32, #tpu.memory_space<vmem>>)
      %dma_wait3A_194 = arith.constant 1152 : i32
      %dma_wait3A_195 = arith.constant 0 : i32
      %dma_wait3A_196 = tpu.memref_slice %arg9[%dma_wait3A_194, %dma_wait3A_195] : memref<1600x32xf32, #tpu.memory_space<vmem>> -> memref<128x32xf32, #tpu.memory_space<vmem>>
      %dma_wait3A_197 = arith.constant 1152 : i32
      %dma_wait3A_198 = tpu.memref_slice %arg7[%dma_wait3A_197] : memref<1600xi32, #tpu.memory_space<vmem>> -> memref<128xi32, #tpu.memory_space<vmem>>
      %dma_wait3A_199 = arith.constant 0 : i32
      %dma_wait3A_200 = arith.constant 0 : i32
      %dma_wait3A_201 = tpu.memref_slice %arg5[%dma_wait3A_199, %dma_wait3A_200] : memref<1000000x32xf32, #tpu.memory_space<hbm>> -> memref<1000000x32xf32, #tpu.memory_space<hbm>>
      tpu.wait_indirect_dma semaphore(%arg12 : memref<!tpu.dma_semaphore, #tpu.memory_space<semaphore_mem>>) src(%dma_wait3A_201 : memref<1000000x32xf32, #tpu.memory_space<hbm>>) dst(%dma_wait3A_196 : memref<128x32xf32, #tpu.memory_space<vmem>>)
      %dma_wait3A_202 = arith.constant 1280 : i32
      %dma_wait3A_203 = arith.constant 0 : i32
      %dma_wait3A_204 = tpu.memref_slice %arg9[%dma_wait3A_202, %dma_wait3A_203] : memref<1600x32xf32, #tpu.memory_space<vmem>> -> memref<128x32xf32, #tpu.memory_space<vmem>>
      %dma_wait3A_205 = arith.constant 1280 : i32
      %dma_wait3A_206 = tpu.memref_slice %arg7[%dma_wait3A_205] : memref<1600xi32, #tpu.memory_space<vmem>> -> memref<128xi32, #tpu.memory_space<vmem>>
      %dma_wait3A_207 = arith.constant 0 : i32
      %dma_wait3A_208 = arith.constant 0 : i32
      %dma_wait3A_209 = tpu.memref_slice %arg5[%dma_wait3A_207, %dma_wait3A_208] : memref<1000000x32xf32, #tpu.memory_space<hbm>> -> memref<1000000x32xf32, #tpu.memory_space<hbm>>
      tpu.wait_indirect_dma semaphore(%arg12 : memref<!tpu.dma_semaphore, #tpu.memory_space<semaphore_mem>>) src(%dma_wait3A_209 : memref<1000000x32xf32, #tpu.memory_space<hbm>>) dst(%dma_wait3A_204 : memref<128x32xf32, #tpu.memory_space<vmem>>)
      %dma_wait3A_210 = arith.constant 1408 : i32
      %dma_wait3A_211 = arith.constant 0 : i32
      %dma_wait3A_212 = tpu.memref_slice %arg9[%dma_wait3A_210, %dma_wait3A_211] : memref<1600x32xf32, #tpu.memory_space<vmem>> -> memref<128x32xf32, #tpu.memory_space<vmem>>
      %dma_wait3A_213 = arith.constant 1408 : i32
      %dma_wait3A_214 = tpu.memref_slice %arg7[%dma_wait3A_213] : memref<1600xi32, #tpu.memory_space<vmem>> -> memref<128xi32, #tpu.memory_space<vmem>>
      %dma_wait3A_215 = arith.constant 0 : i32
      %dma_wait3A_216 = arith.constant 0 : i32
      %dma_wait3A_217 = tpu.memref_slice %arg5[%dma_wait3A_215, %dma_wait3A_216] : memref<1000000x32xf32, #tpu.memory_space<hbm>> -> memref<1000000x32xf32, #tpu.memory_space<hbm>>
      tpu.wait_indirect_dma semaphore(%arg12 : memref<!tpu.dma_semaphore, #tpu.memory_space<semaphore_mem>>) src(%dma_wait3A_217 : memref<1000000x32xf32, #tpu.memory_space<hbm>>) dst(%dma_wait3A_212 : memref<128x32xf32, #tpu.memory_space<vmem>>)
      %dma_wait3A_218 = arith.constant 1536 : i32
      %dma_wait3A_219 = arith.constant 0 : i32
      %dma_wait3A_220 = tpu.memref_slice %arg9[%dma_wait3A_218, %dma_wait3A_219] : memref<1600x32xf32, #tpu.memory_space<vmem>> -> memref<64x32xf32, #tpu.memory_space<vmem>>
      %dma_wait3A_221 = arith.constant 1536 : i32
      %dma_wait3A_222 = tpu.memref_slice %arg7[%dma_wait3A_221] : memref<1600xi32, #tpu.memory_space<vmem>> -> memref<64xi32, #tpu.memory_space<vmem>>
      %dma_wait3A_223 = arith.constant 0 : i32
      %dma_wait3A_224 = arith.constant 0 : i32
      %dma_wait3A_225 = tpu.memref_slice %arg5[%dma_wait3A_223, %dma_wait3A_224] : memref<1000000x32xf32, #tpu.memory_space<hbm>> -> memref<1000000x32xf32, #tpu.memory_space<hbm>>
      tpu.wait_indirect_dma semaphore(%arg12 : memref<!tpu.dma_semaphore, #tpu.memory_space<semaphore_mem>>) src(%dma_wait3A_225 : memref<1000000x32xf32, #tpu.memory_space<hbm>>) dst(%dma_wait3A_220 : memref<64x32xf32, #tpu.memory_space<vmem>>)
      %dma_wait3A_226 = arith.constant 0 : i32
      %dma_wait3A_227 = arith.constant 0 : i32
      %dma_wait3A_228 = tpu.memref_slice %arg4[%dma_wait3A_226, %dma_wait3A_227] : memref<1000000x32xf32, #tpu.memory_space<hbm>> -> memref<1000000x32xf32, #tpu.memory_space<hbm>>
      tpu.wait_indirect_dma semaphore(%arg13 : memref<!tpu.dma_semaphore, #tpu.memory_space<semaphore_mem>>) src(%dma_wait3A_228 : memref<1000000x32xf32, #tpu.memory_space<hbm>>) dst(%arg10 : memref<32x32xf32, #tpu.memory_space<vmem>>)
      %add3A_229 = arith.constant 0 : i32
      %add3A_230 = vector.broadcast %add3A_229 : i32 to vector<16xi32>
      %add3A_231 = arith.addi %iota3A, %add3A_230 : vector<16xi32>
      %broadcast_in_dim3A = arith.constant 0 : i32
      %broadcast_in_dim3A_232 = vector.broadcast %broadcast_in_dim3A : i32 to vector<16xi32>
      %gather3A = tpu.vector_load_idx %arg10[%add3A_231, %broadcast_in_dim3A_232] : memref<32x32xf32, #tpu.memory_space<vmem>>[vector<16xi32>, vector<16xi32>], vector<16xf32>,
      %broadcast_in_dim3A_233 = arith.constant 1 : i32
      %broadcast_in_dim3A_234 = vector.broadcast %broadcast_in_dim3A_233 : i32 to vector<16xi32>
      %gather3A_235 = tpu.vector_load_idx %arg10[%add3A_231, %broadcast_in_dim3A_234] : memref<32x32xf32, #tpu.memory_space<vmem>>[vector<16xi32>, vector<16xi32>], vector<16xf32>,
      %broadcast_in_dim3A_236 = arith.constant 2 : i32
      %broadcast_in_dim3A_237 = vector.broadcast %broadcast_in_dim3A_236 : i32 to vector<16xi32>
      %gather3A_238 = tpu.vector_load_idx %arg10[%add3A_231, %broadcast_in_dim3A_237] : memref<32x32xf32, #tpu.memory_space<vmem>>[vector<16xi32>, vector<16xi32>], vector<16xf32>,
      %broadcast_in_dim3A_239 = arith.constant 3 : i32
      %broadcast_in_dim3A_240 = vector.broadcast %broadcast_in_dim3A_239 : i32 to vector<16xi32>
      %gather3A_241 = tpu.vector_load_idx %arg10[%add3A_231, %broadcast_in_dim3A_240] : memref<32x32xf32, #tpu.memory_space<vmem>>[vector<16xi32>, vector<16xi32>], vector<16xf32>,
      %broadcast_in_dim3A_242 = arith.constant 4 : i32
      %broadcast_in_dim3A_243 = vector.broadcast %broadcast_in_dim3A_242 : i32 to vector<16xi32>
      %gather3A_244 = tpu.vector_load_idx %arg10[%add3A_231, %broadcast_in_dim3A_243] : memref<32x32xf32, #tpu.memory_space<vmem>>[vector<16xi32>, vector<16xi32>], vector<16xf32>,
      %broadcast_in_dim3A_245 = arith.constant 5 : i32
      %broadcast_in_dim3A_246 = vector.broadcast %broadcast_in_dim3A_245 : i32 to vector<16xi32>
      %gather3A_247 = tpu.vector_load_idx %arg10[%add3A_231, %broadcast_in_dim3A_246] : memref<32x32xf32, #tpu.memory_space<vmem>>[vector<16xi32>, vector<16xi32>], vector<16xf32>,
      %broadcast_in_dim3A_248 = arith.constant 6 : i32
      %broadcast_in_dim3A_249 = vector.broadcast %broadcast_in_dim3A_248 : i32 to vector<16xi32>
      %gather3A_250 = tpu.vector_load_idx %arg10[%add3A_231, %broadcast_in_dim3A_249] : memref<32x32xf32, #tpu.memory_space<vmem>>[vector<16xi32>, vector<16xi32>], vector<16xf32>,
      %broadcast_in_dim3A_251 = arith.constant 7 : i32
      %broadcast_in_dim3A_252 = vector.broadcast %broadcast_in_dim3A_251 : i32 to vector<16xi32>
      %gather3A_253 = tpu.vector_load_idx %arg10[%add3A_231, %broadcast_in_dim3A_252] : memref<32x32xf32, #tpu.memory_space<vmem>>[vector<16xi32>, vector<16xi32>], vector<16xf32>,
      %broadcast_in_dim3A_254 = arith.constant 8 : i32
      %broadcast_in_dim3A_255 = vector.broadcast %broadcast_in_dim3A_254 : i32 to vector<16xi32>
      %gather3A_256 = tpu.vector_load_idx %arg10[%add3A_231, %broadcast_in_dim3A_255] : memref<32x32xf32, #tpu.memory_space<vmem>>[vector<16xi32>, vector<16xi32>], vector<16xf32>,
      %broadcast_in_dim3A_257 = arith.constant 9 : i32
      %broadcast_in_dim3A_258 = vector.broadcast %broadcast_in_dim3A_257 : i32 to vector<16xi32>
      %gather3A_259 = tpu.vector_load_idx %arg10[%add3A_231, %broadcast_in_dim3A_258] : memref<32x32xf32, #tpu.memory_space<vmem>>[vector<16xi32>, vector<16xi32>], vector<16xf32>,
      %broadcast_in_dim3A_260 = arith.constant 10 : i32
      %broadcast_in_dim3A_261 = vector.broadcast %broadcast_in_dim3A_260 : i32 to vector<16xi32>
      %gather3A_262 = tpu.vector_load_idx %arg10[%add3A_231, %broadcast_in_dim3A_261] : memref<32x32xf32, #tpu.memory_space<vmem>>[vector<16xi32>, vector<16xi32>], vector<16xf32>,
      %broadcast_in_dim3A_263 = arith.constant 11 : i32
      %broadcast_in_dim3A_264 = vector.broadcast %broadcast_in_dim3A_263 : i32 to vector<16xi32>
      %gather3A_265 = tpu.vector_load_idx %arg10[%add3A_231, %broadcast_in_dim3A_264] : memref<32x32xf32, #tpu.memory_space<vmem>>[vector<16xi32>, vector<16xi32>], vector<16xf32>,
      %broadcast_in_dim3A_266 = arith.constant 12 : i32
      %broadcast_in_dim3A_267 = vector.broadcast %broadcast_in_dim3A_266 : i32 to vector<16xi32>
      %gather3A_268 = tpu.vector_load_idx %arg10[%add3A_231, %broadcast_in_dim3A_267] : memref<32x32xf32, #tpu.memory_space<vmem>>[vector<16xi32>, vector<16xi32>], vector<16xf32>,
      %broadcast_in_dim3A_269 = arith.constant 13 : i32
      %broadcast_in_dim3A_270 = vector.broadcast %broadcast_in_dim3A_269 : i32 to vector<16xi32>
      %gather3A_271 = tpu.vector_load_idx %arg10[%add3A_231, %broadcast_in_dim3A_270] : memref<32x32xf32, #tpu.memory_space<vmem>>[vector<16xi32>, vector<16xi32>], vector<16xf32>,
      %broadcast_in_dim3A_272 = arith.constant 14 : i32
      %broadcast_in_dim3A_273 = vector.broadcast %broadcast_in_dim3A_272 : i32 to vector<16xi32>
      %gather3A_274 = tpu.vector_load_idx %arg10[%add3A_231, %broadcast_in_dim3A_273] : memref<32x32xf32, #tpu.memory_space<vmem>>[vector<16xi32>, vector<16xi32>], vector<16xf32>,
      %broadcast_in_dim3A_275 = arith.constant 15 : i32
      %broadcast_in_dim3A_276 = vector.broadcast %broadcast_in_dim3A_275 : i32 to vector<16xi32>
      %gather3A_277 = tpu.vector_load_idx %arg10[%add3A_231, %broadcast_in_dim3A_276] : memref<32x32xf32, #tpu.memory_space<vmem>>[vector<16xi32>, vector<16xi32>], vector<16xf32>,
      %broadcast_in_dim3A_278 = arith.constant 16 : i32
      %broadcast_in_dim3A_279 = vector.broadcast %broadcast_in_dim3A_278 : i32 to vector<16xi32>
      %gather3A_280 = tpu.vector_load_idx %arg10[%add3A_231, %broadcast_in_dim3A_279] : memref<32x32xf32, #tpu.memory_space<vmem>>[vector<16xi32>, vector<16xi32>], vector<16xf32>,
      %broadcast_in_dim3A_281 = arith.constant 17 : i32
      %broadcast_in_dim3A_282 = vector.broadcast %broadcast_in_dim3A_281 : i32 to vector<16xi32>
      %gather3A_283 = tpu.vector_load_idx %arg10[%add3A_231, %broadcast_in_dim3A_282] : memref<32x32xf32, #tpu.memory_space<vmem>>[vector<16xi32>, vector<16xi32>], vector<16xf32>,
      %broadcast_in_dim3A_284 = arith.constant 18 : i32
      %broadcast_in_dim3A_285 = vector.broadcast %broadcast_in_dim3A_284 : i32 to vector<16xi32>
      %gather3A_286 = tpu.vector_load_idx %arg10[%add3A_231, %broadcast_in_dim3A_285] : memref<32x32xf32, #tpu.memory_space<vmem>>[vector<16xi32>, vector<16xi32>], vector<16xf32>,
      %broadcast_in_dim3A_287 = arith.constant 19 : i32
      %broadcast_in_dim3A_288 = vector.broadcast %broadcast_in_dim3A_287 : i32 to vector<16xi32>
      %gather3A_289 = tpu.vector_load_idx %arg10[%add3A_231, %broadcast_in_dim3A_288] : memref<32x32xf32, #tpu.memory_space<vmem>>[vector<16xi32>, vector<16xi32>], vector<16xf32>,
      %broadcast_in_dim3A_290 = arith.constant 20 : i32
      %broadcast_in_dim3A_291 = vector.broadcast %broadcast_in_dim3A_290 : i32 to vector<16xi32>
      %gather3A_292 = tpu.vector_load_idx %arg10[%add3A_231, %broadcast_in_dim3A_291] : memref<32x32xf32, #tpu.memory_space<vmem>>[vector<16xi32>, vector<16xi32>], vector<16xf32>,
      %broadcast_in_dim3A_293 = arith.constant 21 : i32
      %broadcast_in_dim3A_294 = vector.broadcast %broadcast_in_dim3A_293 : i32 to vector<16xi32>
      %gather3A_295 = tpu.vector_load_idx %arg10[%add3A_231, %broadcast_in_dim3A_294] : memref<32x32xf32, #tpu.memory_space<vmem>>[vector<16xi32>, vector<16xi32>], vector<16xf32>,
      %broadcast_in_dim3A_296 = arith.constant 22 : i32
      %broadcast_in_dim3A_297 = vector.broadcast %broadcast_in_dim3A_296 : i32 to vector<16xi32>
      %gather3A_298 = tpu.vector_load_idx %arg10[%add3A_231, %broadcast_in_dim3A_297] : memref<32x32xf32, #tpu.memory_space<vmem>>[vector<16xi32>, vector<16xi32>], vector<16xf32>,
      %broadcast_in_dim3A_299 = arith.constant 23 : i32
      %broadcast_in_dim3A_300 = vector.broadcast %broadcast_in_dim3A_299 : i32 to vector<16xi32>
      %gather3A_301 = tpu.vector_load_idx %arg10[%add3A_231, %broadcast_in_dim3A_300] : memref<32x32xf32, #tpu.memory_space<vmem>>[vector<16xi32>, vector<16xi32>], vector<16xf32>,
      %broadcast_in_dim3A_302 = arith.constant 24 : i32
      %broadcast_in_dim3A_303 = vector.broadcast %broadcast_in_dim3A_302 : i32 to vector<16xi32>
      %gather3A_304 = tpu.vector_load_idx %arg10[%add3A_231, %broadcast_in_dim3A_303] : memref<32x32xf32, #tpu.memory_space<vmem>>[vector<16xi32>, vector<16xi32>], vector<16xf32>,
      %broadcast_in_dim3A_305 = arith.constant 25 : i32
      %broadcast_in_dim3A_306 = vector.broadcast %broadcast_in_dim3A_305 : i32 to vector<16xi32>
      %gather3A_307 = tpu.vector_load_idx %arg10[%add3A_231, %broadcast_in_dim3A_306] : memref<32x32xf32, #tpu.memory_space<vmem>>[vector<16xi32>, vector<16xi32>], vector<16xf32>,
      %broadcast_in_dim3A_308 = arith.constant 26 : i32
      %broadcast_in_dim3A_309 = vector.broadcast %broadcast_in_dim3A_308 : i32 to vector<16xi32>
      %gather3A_310 = tpu.vector_load_idx %arg10[%add3A_231, %broadcast_in_dim3A_309] : memref<32x32xf32, #tpu.memory_space<vmem>>[vector<16xi32>, vector<16xi32>], vector<16xf32>,
      %broadcast_in_dim3A_311 = arith.constant 27 : i32
      %broadcast_in_dim3A_312 = vector.broadcast %broadcast_in_dim3A_311 : i32 to vector<16xi32>
      %gather3A_313 = tpu.vector_load_idx %arg10[%add3A_231, %broadcast_in_dim3A_312] : memref<32x32xf32, #tpu.memory_space<vmem>>[vector<16xi32>, vector<16xi32>], vector<16xf32>,
      %broadcast_in_dim3A_314 = arith.constant 28 : i32
      %broadcast_in_dim3A_315 = vector.broadcast %broadcast_in_dim3A_314 : i32 to vector<16xi32>
      %gather3A_316 = tpu.vector_load_idx %arg10[%add3A_231, %broadcast_in_dim3A_315] : memref<32x32xf32, #tpu.memory_space<vmem>>[vector<16xi32>, vector<16xi32>], vector<16xf32>,
      %broadcast_in_dim3A_317 = arith.constant 29 : i32
      %broadcast_in_dim3A_318 = vector.broadcast %broadcast_in_dim3A_317 : i32 to vector<16xi32>
      %gather3A_319 = tpu.vector_load_idx %arg10[%add3A_231, %broadcast_in_dim3A_318] : memref<32x32xf32, #tpu.memory_space<vmem>>[vector<16xi32>, vector<16xi32>], vector<16xf32>,
      %broadcast_in_dim3A_320 = arith.constant 30 : i32
      %broadcast_in_dim3A_321 = vector.broadcast %broadcast_in_dim3A_320 : i32 to vector<16xi32>
      %gather3A_322 = tpu.vector_load_idx %arg10[%add3A_231, %broadcast_in_dim3A_321] : memref<32x32xf32, #tpu.memory_space<vmem>>[vector<16xi32>, vector<16xi32>], vector<16xf32>,
      %broadcast_in_dim3A_323 = arith.constant 31 : i32
      %broadcast_in_dim3A_324 = vector.broadcast %broadcast_in_dim3A_323 : i32 to vector<16xi32>
      %gather3A_325 = tpu.vector_load_idx %arg10[%add3A_231, %broadcast_in_dim3A_324] : memref<32x32xf32, #tpu.memory_space<vmem>>[vector<16xi32>, vector<16xi32>], vector<16xf32>,
      %parallel_loop3A = arith.constant 0 : i32
      %parallel_loop3A_326 = arith.constant 50 : i32
      %parallel_loop3A_327 = arith.constant 1 : i32
      scf.for %parallel_loop3A_430 = %parallel_loop3A to %parallel_loop3A_326 step %parallel_loop3A_327  : i32 {
        %parallel_loop3A_431 = arith.constant 50 : i32
        %parallel_loop3A_432 = vector.broadcast %parallel_loop3A_431 : i32 to vector<16xi32>
        %parallel_loop3A_433 = arith.muli %iota3A, %parallel_loop3A_432 : vector<16xi32>
        %parallel_loop3A_434 = arith.constant 0 : i32
        %parallel_loop3A_435 = arith.addi %parallel_loop3A_434, %parallel_loop3A_430 : i32
        %parallel_loop3A_436 = vector.broadcast %parallel_loop3A_435 : i32 to vector<16xi32>
        %parallel_loop3A_437 = arith.addi %parallel_loop3A_433, %parallel_loop3A_436 : vector<16xi32>
        %parallel_loop3A_438 = arith.constant 0.000000e+00 : f32
        %parallel_loop3A_439 = vector.broadcast %parallel_loop3A_438 : f32 to vector<16xf32>
        %parallel_loop3A_440 = arith.constant 0 : i32
        %parallel_loop3A_441 = vector.broadcast %parallel_loop3A_440 : i32 to vector<16xi32>
        %parallel_loop3A_442 = tpu.vector_load_idx %arg9[%parallel_loop3A_437, %parallel_loop3A_441] : memref<1600x32xf32, #tpu.memory_space<vmem>>[vector<16xi32>, vector<16xi32>], vector<16xf32>,
        %parallel_loop3A_443 = arith.mulf %parallel_loop3A_442, %gather3A : vector<16xf32>
        %parallel_loop3A_444 = arith.addf %parallel_loop3A_439, %parallel_loop3A_443 : vector<16xf32>
        %parallel_loop3A_445 = arith.constant 1 : i32
        %parallel_loop3A_446 = vector.broadcast %parallel_loop3A_445 : i32 to vector<16xi32>
        %parallel_loop3A_447 = tpu.vector_load_idx %arg9[%parallel_loop3A_437, %parallel_loop3A_446] : memref<1600x32xf32, #tpu.memory_space<vmem>>[vector<16xi32>, vector<16xi32>], vector<16xf32>,
        %parallel_loop3A_448 = arith.mulf %parallel_loop3A_447, %gather3A_235 : vector<16xf32>
        %parallel_loop3A_449 = arith.addf %parallel_loop3A_444, %parallel_loop3A_448 : vector<16xf32>
        %parallel_loop3A_450 = arith.constant 2 : i32
        %parallel_loop3A_451 = vector.broadcast %parallel_loop3A_450 : i32 to vector<16xi32>
        %parallel_loop3A_452 = tpu.vector_load_idx %arg9[%parallel_loop3A_437, %parallel_loop3A_451] : memref<1600x32xf32, #tpu.memory_space<vmem>>[vector<16xi32>, vector<16xi32>], vector<16xf32>,
        %parallel_loop3A_453 = arith.mulf %parallel_loop3A_452, %gather3A_238 : vector<16xf32>
        %parallel_loop3A_454 = arith.addf %parallel_loop3A_449, %parallel_loop3A_453 : vector<16xf32>
        %parallel_loop3A_455 = arith.constant 3 : i32
        %parallel_loop3A_456 = vector.broadcast %parallel_loop3A_455 : i32 to vector<16xi32>
        %parallel_loop3A_457 = tpu.vector_load_idx %arg9[%parallel_loop3A_437, %parallel_loop3A_456] : memref<1600x32xf32, #tpu.memory_space<vmem>>[vector<16xi32>, vector<16xi32>], vector<16xf32>,
        %parallel_loop3A_458 = arith.mulf %parallel_loop3A_457, %gather3A_241 : vector<16xf32>
        %parallel_loop3A_459 = arith.addf %parallel_loop3A_454, %parallel_loop3A_458 : vector<16xf32>
        %parallel_loop3A_460 = arith.constant 4 : i32
        %parallel_loop3A_461 = vector.broadcast %parallel_loop3A_460 : i32 to vector<16xi32>
        %parallel_loop3A_462 = tpu.vector_load_idx %arg9[%parallel_loop3A_437, %parallel_loop3A_461] : memref<1600x32xf32, #tpu.memory_space<vmem>>[vector<16xi32>, vector<16xi32>], vector<16xf32>,
        %parallel_loop3A_463 = arith.mulf %parallel_loop3A_462, %gather3A_244 : vector<16xf32>
        %parallel_loop3A_464 = arith.addf %parallel_loop3A_459, %parallel_loop3A_463 : vector<16xf32>
        %parallel_loop3A_465 = arith.constant 5 : i32
        %parallel_loop3A_466 = vector.broadcast %parallel_loop3A_465 : i32 to vector<16xi32>
        %parallel_loop3A_467 = tpu.vector_load_idx %arg9[%parallel_loop3A_437, %parallel_loop3A_466] : memref<1600x32xf32, #tpu.memory_space<vmem>>[vector<16xi32>, vector<16xi32>], vector<16xf32>,
        %parallel_loop3A_468 = arith.mulf %parallel_loop3A_467, %gather3A_247 : vector<16xf32>
        %parallel_loop3A_469 = arith.addf %parallel_loop3A_464, %parallel_loop3A_468 : vector<16xf32>
        %parallel_loop3A_470 = arith.constant 6 : i32
        %parallel_loop3A_471 = vector.broadcast %parallel_loop3A_470 : i32 to vector<16xi32>
        %parallel_loop3A_472 = tpu.vector_load_idx %arg9[%parallel_loop3A_437, %parallel_loop3A_471] : memref<1600x32xf32, #tpu.memory_space<vmem>>[vector<16xi32>, vector<16xi32>], vector<16xf32>,
        %parallel_loop3A_473 = arith.mulf %parallel_loop3A_472, %gather3A_250 : vector<16xf32>
        %parallel_loop3A_474 = arith.addf %parallel_loop3A_469, %parallel_loop3A_473 : vector<16xf32>
        %parallel_loop3A_475 = arith.constant 7 : i32
        %parallel_loop3A_476 = vector.broadcast %parallel_loop3A_475 : i32 to vector<16xi32>
        %parallel_loop3A_477 = tpu.vector_load_idx %arg9[%parallel_loop3A_437, %parallel_loop3A_476] : memref<1600x32xf32, #tpu.memory_space<vmem>>[vector<16xi32>, vector<16xi32>], vector<16xf32>,
        %parallel_loop3A_478 = arith.mulf %parallel_loop3A_477, %gather3A_253 : vector<16xf32>
        %parallel_loop3A_479 = arith.addf %parallel_loop3A_474, %parallel_loop3A_478 : vector<16xf32>
        %parallel_loop3A_480 = arith.constant 8 : i32
        %parallel_loop3A_481 = vector.broadcast %parallel_loop3A_480 : i32 to vector<16xi32>
        %parallel_loop3A_482 = tpu.vector_load_idx %arg9[%parallel_loop3A_437, %parallel_loop3A_481] : memref<1600x32xf32, #tpu.memory_space<vmem>>[vector<16xi32>, vector<16xi32>], vector<16xf32>,
        %parallel_loop3A_483 = arith.mulf %parallel_loop3A_482, %gather3A_256 : vector<16xf32>
        %parallel_loop3A_484 = arith.addf %parallel_loop3A_479, %parallel_loop3A_483 : vector<16xf32>
        %parallel_loop3A_485 = arith.constant 9 : i32
        %parallel_loop3A_486 = vector.broadcast %parallel_loop3A_485 : i32 to vector<16xi32>
        %parallel_loop3A_487 = tpu.vector_load_idx %arg9[%parallel_loop3A_437, %parallel_loop3A_486] : memref<1600x32xf32, #tpu.memory_space<vmem>>[vector<16xi32>, vector<16xi32>], vector<16xf32>,
        %parallel_loop3A_488 = arith.mulf %parallel_loop3A_487, %gather3A_259 : vector<16xf32>
        %parallel_loop3A_489 = arith.addf %parallel_loop3A_484, %parallel_loop3A_488 : vector<16xf32>
        %parallel_loop3A_490 = arith.constant 10 : i32
        %parallel_loop3A_491 = vector.broadcast %parallel_loop3A_490 : i32 to vector<16xi32>
        %parallel_loop3A_492 = tpu.vector_load_idx %arg9[%parallel_loop3A_437, %parallel_loop3A_491] : memref<1600x32xf32, #tpu.memory_space<vmem>>[vector<16xi32>, vector<16xi32>], vector<16xf32>,
        %parallel_loop3A_493 = arith.mulf %parallel_loop3A_492, %gather3A_262 : vector<16xf32>
        %parallel_loop3A_494 = arith.addf %parallel_loop3A_489, %parallel_loop3A_493 : vector<16xf32>
        %parallel_loop3A_495 = arith.constant 11 : i32
        %parallel_loop3A_496 = vector.broadcast %parallel_loop3A_495 : i32 to vector<16xi32>
        %parallel_loop3A_497 = tpu.vector_load_idx %arg9[%parallel_loop3A_437, %parallel_loop3A_496] : memref<1600x32xf32, #tpu.memory_space<vmem>>[vector<16xi32>, vector<16xi32>], vector<16xf32>,
        %parallel_loop3A_498 = arith.mulf %parallel_loop3A_497, %gather3A_265 : vector<16xf32>
        %parallel_loop3A_499 = arith.addf %parallel_loop3A_494, %parallel_loop3A_498 : vector<16xf32>
        %parallel_loop3A_500 = arith.constant 12 : i32
        %parallel_loop3A_501 = vector.broadcast %parallel_loop3A_500 : i32 to vector<16xi32>
        %parallel_loop3A_502 = tpu.vector_load_idx %arg9[%parallel_loop3A_437, %parallel_loop3A_501] : memref<1600x32xf32, #tpu.memory_space<vmem>>[vector<16xi32>, vector<16xi32>], vector<16xf32>,
        %parallel_loop3A_503 = arith.mulf %parallel_loop3A_502, %gather3A_268 : vector<16xf32>
        %parallel_loop3A_504 = arith.addf %parallel_loop3A_499, %parallel_loop3A_503 : vector<16xf32>
        %parallel_loop3A_505 = arith.constant 13 : i32
        %parallel_loop3A_506 = vector.broadcast %parallel_loop3A_505 : i32 to vector<16xi32>
        %parallel_loop3A_507 = tpu.vector_load_idx %arg9[%parallel_loop3A_437, %parallel_loop3A_506] : memref<1600x32xf32, #tpu.memory_space<vmem>>[vector<16xi32>, vector<16xi32>], vector<16xf32>,
        %parallel_loop3A_508 = arith.mulf %parallel_loop3A_507, %gather3A_271 : vector<16xf32>
        %parallel_loop3A_509 = arith.addf %parallel_loop3A_504, %parallel_loop3A_508 : vector<16xf32>
        %parallel_loop3A_510 = arith.constant 14 : i32
        %parallel_loop3A_511 = vector.broadcast %parallel_loop3A_510 : i32 to vector<16xi32>
        %parallel_loop3A_512 = tpu.vector_load_idx %arg9[%parallel_loop3A_437, %parallel_loop3A_511] : memref<1600x32xf32, #tpu.memory_space<vmem>>[vector<16xi32>, vector<16xi32>], vector<16xf32>,
        %parallel_loop3A_513 = arith.mulf %parallel_loop3A_512, %gather3A_274 : vector<16xf32>
        %parallel_loop3A_514 = arith.addf %parallel_loop3A_509, %parallel_loop3A_513 : vector<16xf32>
        %parallel_loop3A_515 = arith.constant 15 : i32
        %parallel_loop3A_516 = vector.broadcast %parallel_loop3A_515 : i32 to vector<16xi32>
        %parallel_loop3A_517 = tpu.vector_load_idx %arg9[%parallel_loop3A_437, %parallel_loop3A_516] : memref<1600x32xf32, #tpu.memory_space<vmem>>[vector<16xi32>, vector<16xi32>], vector<16xf32>,
        %parallel_loop3A_518 = arith.mulf %parallel_loop3A_517, %gather3A_277 : vector<16xf32>
        %parallel_loop3A_519 = arith.addf %parallel_loop3A_514, %parallel_loop3A_518 : vector<16xf32>
        %parallel_loop3A_520 = arith.constant 16 : i32
        %parallel_loop3A_521 = vector.broadcast %parallel_loop3A_520 : i32 to vector<16xi32>
        %parallel_loop3A_522 = tpu.vector_load_idx %arg9[%parallel_loop3A_437, %parallel_loop3A_521] : memref<1600x32xf32, #tpu.memory_space<vmem>>[vector<16xi32>, vector<16xi32>], vector<16xf32>,
        %parallel_loop3A_523 = arith.mulf %parallel_loop3A_522, %gather3A_280 : vector<16xf32>
        %parallel_loop3A_524 = arith.addf %parallel_loop3A_519, %parallel_loop3A_523 : vector<16xf32>
        %parallel_loop3A_525 = arith.constant 17 : i32
        %parallel_loop3A_526 = vector.broadcast %parallel_loop3A_525 : i32 to vector<16xi32>
        %parallel_loop3A_527 = tpu.vector_load_idx %arg9[%parallel_loop3A_437, %parallel_loop3A_526] : memref<1600x32xf32, #tpu.memory_space<vmem>>[vector<16xi32>, vector<16xi32>], vector<16xf32>,
        %parallel_loop3A_528 = arith.mulf %parallel_loop3A_527, %gather3A_283 : vector<16xf32>
        %parallel_loop3A_529 = arith.addf %parallel_loop3A_524, %parallel_loop3A_528 : vector<16xf32>
        %parallel_loop3A_530 = arith.constant 18 : i32
        %parallel_loop3A_531 = vector.broadcast %parallel_loop3A_530 : i32 to vector<16xi32>
        %parallel_loop3A_532 = tpu.vector_load_idx %arg9[%parallel_loop3A_437, %parallel_loop3A_531] : memref<1600x32xf32, #tpu.memory_space<vmem>>[vector<16xi32>, vector<16xi32>], vector<16xf32>,
        %parallel_loop3A_533 = arith.mulf %parallel_loop3A_532, %gather3A_286 : vector<16xf32>
        %parallel_loop3A_534 = arith.addf %parallel_loop3A_529, %parallel_loop3A_533 : vector<16xf32>
        %parallel_loop3A_535 = arith.constant 19 : i32
        %parallel_loop3A_536 = vector.broadcast %parallel_loop3A_535 : i32 to vector<16xi32>
        %parallel_loop3A_537 = tpu.vector_load_idx %arg9[%parallel_loop3A_437, %parallel_loop3A_536] : memref<1600x32xf32, #tpu.memory_space<vmem>>[vector<16xi32>, vector<16xi32>], vector<16xf32>,
        %parallel_loop3A_538 = arith.mulf %parallel_loop3A_537, %gather3A_289 : vector<16xf32>
        %parallel_loop3A_539 = arith.addf %parallel_loop3A_534, %parallel_loop3A_538 : vector<16xf32>
        %parallel_loop3A_540 = arith.constant 20 : i32
        %parallel_loop3A_541 = vector.broadcast %parallel_loop3A_540 : i32 to vector<16xi32>
        %parallel_loop3A_542 = tpu.vector_load_idx %arg9[%parallel_loop3A_437, %parallel_loop3A_541] : memref<1600x32xf32, #tpu.memory_space<vmem>>[vector<16xi32>, vector<16xi32>], vector<16xf32>,
        %parallel_loop3A_543 = arith.mulf %parallel_loop3A_542, %gather3A_292 : vector<16xf32>
        %parallel_loop3A_544 = arith.addf %parallel_loop3A_539, %parallel_loop3A_543 : vector<16xf32>
        %parallel_loop3A_545 = arith.constant 21 : i32
        %parallel_loop3A_546 = vector.broadcast %parallel_loop3A_545 : i32 to vector<16xi32>
        %parallel_loop3A_547 = tpu.vector_load_idx %arg9[%parallel_loop3A_437, %parallel_loop3A_546] : memref<1600x32xf32, #tpu.memory_space<vmem>>[vector<16xi32>, vector<16xi32>], vector<16xf32>,
        %parallel_loop3A_548 = arith.mulf %parallel_loop3A_547, %gather3A_295 : vector<16xf32>
        %parallel_loop3A_549 = arith.addf %parallel_loop3A_544, %parallel_loop3A_548 : vector<16xf32>
        %parallel_loop3A_550 = arith.constant 22 : i32
        %parallel_loop3A_551 = vector.broadcast %parallel_loop3A_550 : i32 to vector<16xi32>
        %parallel_loop3A_552 = tpu.vector_load_idx %arg9[%parallel_loop3A_437, %parallel_loop3A_551] : memref<1600x32xf32, #tpu.memory_space<vmem>>[vector<16xi32>, vector<16xi32>], vector<16xf32>,
        %parallel_loop3A_553 = arith.mulf %parallel_loop3A_552, %gather3A_298 : vector<16xf32>
        %parallel_loop3A_554 = arith.addf %parallel_loop3A_549, %parallel_loop3A_553 : vector<16xf32>
        %parallel_loop3A_555 = arith.constant 23 : i32
        %parallel_loop3A_556 = vector.broadcast %parallel_loop3A_555 : i32 to vector<16xi32>
        %parallel_loop3A_557 = tpu.vector_load_idx %arg9[%parallel_loop3A_437, %parallel_loop3A_556] : memref<1600x32xf32, #tpu.memory_space<vmem>>[vector<16xi32>, vector<16xi32>], vector<16xf32>,
        %parallel_loop3A_558 = arith.mulf %parallel_loop3A_557, %gather3A_301 : vector<16xf32>
        %parallel_loop3A_559 = arith.addf %parallel_loop3A_554, %parallel_loop3A_558 : vector<16xf32>
        %parallel_loop3A_560 = arith.constant 24 : i32
        %parallel_loop3A_561 = vector.broadcast %parallel_loop3A_560 : i32 to vector<16xi32>
        %parallel_loop3A_562 = tpu.vector_load_idx %arg9[%parallel_loop3A_437, %parallel_loop3A_561] : memref<1600x32xf32, #tpu.memory_space<vmem>>[vector<16xi32>, vector<16xi32>], vector<16xf32>,
        %parallel_loop3A_563 = arith.mulf %parallel_loop3A_562, %gather3A_304 : vector<16xf32>
        %parallel_loop3A_564 = arith.addf %parallel_loop3A_559, %parallel_loop3A_563 : vector<16xf32>
        %parallel_loop3A_565 = arith.constant 25 : i32
        %parallel_loop3A_566 = vector.broadcast %parallel_loop3A_565 : i32 to vector<16xi32>
        %parallel_loop3A_567 = tpu.vector_load_idx %arg9[%parallel_loop3A_437, %parallel_loop3A_566] : memref<1600x32xf32, #tpu.memory_space<vmem>>[vector<16xi32>, vector<16xi32>], vector<16xf32>,
        %parallel_loop3A_568 = arith.mulf %parallel_loop3A_567, %gather3A_307 : vector<16xf32>
        %parallel_loop3A_569 = arith.addf %parallel_loop3A_564, %parallel_loop3A_568 : vector<16xf32>
        %parallel_loop3A_570 = arith.constant 26 : i32
        %parallel_loop3A_571 = vector.broadcast %parallel_loop3A_570 : i32 to vector<16xi32>
        %parallel_loop3A_572 = tpu.vector_load_idx %arg9[%parallel_loop3A_437, %parallel_loop3A_571] : memref<1600x32xf32, #tpu.memory_space<vmem>>[vector<16xi32>, vector<16xi32>], vector<16xf32>,
        %parallel_loop3A_573 = arith.mulf %parallel_loop3A_572, %gather3A_310 : vector<16xf32>
        %parallel_loop3A_574 = arith.addf %parallel_loop3A_569, %parallel_loop3A_573 : vector<16xf32>
        %parallel_loop3A_575 = arith.constant 27 : i32
        %parallel_loop3A_576 = vector.broadcast %parallel_loop3A_575 : i32 to vector<16xi32>
        %parallel_loop3A_577 = tpu.vector_load_idx %arg9[%parallel_loop3A_437, %parallel_loop3A_576] : memref<1600x32xf32, #tpu.memory_space<vmem>>[vector<16xi32>, vector<16xi32>], vector<16xf32>,
        %parallel_loop3A_578 = arith.mulf %parallel_loop3A_577, %gather3A_313 : vector<16xf32>
        %parallel_loop3A_579 = arith.addf %parallel_loop3A_574, %parallel_loop3A_578 : vector<16xf32>
        %parallel_loop3A_580 = arith.constant 28 : i32
        %parallel_loop3A_581 = vector.broadcast %parallel_loop3A_580 : i32 to vector<16xi32>
        %parallel_loop3A_582 = tpu.vector_load_idx %arg9[%parallel_loop3A_437, %parallel_loop3A_581] : memref<1600x32xf32, #tpu.memory_space<vmem>>[vector<16xi32>, vector<16xi32>], vector<16xf32>,
        %parallel_loop3A_583 = arith.mulf %parallel_loop3A_582, %gather3A_316 : vector<16xf32>
        %parallel_loop3A_584 = arith.addf %parallel_loop3A_579, %parallel_loop3A_583 : vector<16xf32>
        %parallel_loop3A_585 = arith.constant 29 : i32
        %parallel_loop3A_586 = vector.broadcast %parallel_loop3A_585 : i32 to vector<16xi32>
        %parallel_loop3A_587 = tpu.vector_load_idx %arg9[%parallel_loop3A_437, %parallel_loop3A_586] : memref<1600x32xf32, #tpu.memory_space<vmem>>[vector<16xi32>, vector<16xi32>], vector<16xf32>,
        %parallel_loop3A_588 = arith.mulf %parallel_loop3A_587, %gather3A_319 : vector<16xf32>
        %parallel_loop3A_589 = arith.addf %parallel_loop3A_584, %parallel_loop3A_588 : vector<16xf32>
        %parallel_loop3A_590 = arith.constant 30 : i32
        %parallel_loop3A_591 = vector.broadcast %parallel_loop3A_590 : i32 to vector<16xi32>
        %parallel_loop3A_592 = tpu.vector_load_idx %arg9[%parallel_loop3A_437, %parallel_loop3A_591] : memref<1600x32xf32, #tpu.memory_space<vmem>>[vector<16xi32>, vector<16xi32>], vector<16xf32>,
        %parallel_loop3A_593 = arith.mulf %parallel_loop3A_592, %gather3A_322 : vector<16xf32>
        %parallel_loop3A_594 = arith.addf %parallel_loop3A_589, %parallel_loop3A_593 : vector<16xf32>
        %parallel_loop3A_595 = arith.constant 31 : i32
        %parallel_loop3A_596 = vector.broadcast %parallel_loop3A_595 : i32 to vector<16xi32>
        %parallel_loop3A_597 = tpu.vector_load_idx %arg9[%parallel_loop3A_437, %parallel_loop3A_596] : memref<1600x32xf32, #tpu.memory_space<vmem>>[vector<16xi32>, vector<16xi32>], vector<16xf32>,
        %parallel_loop3A_598 = arith.mulf %parallel_loop3A_597, %gather3A_325 : vector<16xf32>
        %parallel_loop3A_599 = arith.addf %parallel_loop3A_594, %parallel_loop3A_598 : vector<16xf32>
        %parallel_loop3A_600 = arith.constant 0 : i32
        %parallel_loop3A_601 = vector.broadcast %parallel_loop3A_600 : i32 to vector<16xi32>
        %parallel_loop3A_602 = vector.broadcast %parallel_loop3A_430 : i32 to vector<16xi32>
        %parallel_loop3A_603 = arith.addi %parallel_loop3A_601, %parallel_loop3A_602 : vector<16xi32>
        tpu.vector_store_idx %arg11[%add3A_231, %parallel_loop3A_603], %parallel_loop3A_599 : memref<32x50xf32, #tpu.memory_space<vmem>>[vector<16xi32>, vector<16xi32>], vector<16xf32>,
      } {sc.loop_unroll_factor = 1 : i64, sc.parallel_access}
      %add3A_328 = arith.constant 16 : i32
      %add3A_329 = vector.broadcast %add3A_328 : i32 to vector<16xi32>
      %add3A_330 = arith.addi %iota3A, %add3A_329 : vector<16xi32>
      %broadcast_in_dim3A_331 = arith.constant 0 : i32
      %broadcast_in_dim3A_332 = vector.broadcast %broadcast_in_dim3A_331 : i32 to vector<16xi32>
      %gather3A_333 = tpu.vector_load_idx %arg10[%add3A_330, %broadcast_in_dim3A_332] : memref<32x32xf32, #tpu.memory_space<vmem>>[vector<16xi32>, vector<16xi32>], vector<16xf32>,
      %broadcast_in_dim3A_334 = arith.constant 1 : i32
      %broadcast_in_dim3A_335 = vector.broadcast %broadcast_in_dim3A_334 : i32 to vector<16xi32>
      %gather3A_336 = tpu.vector_load_idx %arg10[%add3A_330, %broadcast_in_dim3A_335] : memref<32x32xf32, #tpu.memory_space<vmem>>[vector<16xi32>, vector<16xi32>], vector<16xf32>,
      %broadcast_in_dim3A_337 = arith.constant 2 : i32
      %broadcast_in_dim3A_338 = vector.broadcast %broadcast_in_dim3A_337 : i32 to vector<16xi32>
      %gather3A_339 = tpu.vector_load_idx %arg10[%add3A_330, %broadcast_in_dim3A_338] : memref<32x32xf32, #tpu.memory_space<vmem>>[vector<16xi32>, vector<16xi32>], vector<16xf32>,
      %broadcast_in_dim3A_340 = arith.constant 3 : i32
      %broadcast_in_dim3A_341 = vector.broadcast %broadcast_in_dim3A_340 : i32 to vector<16xi32>
      %gather3A_342 = tpu.vector_load_idx %arg10[%add3A_330, %broadcast_in_dim3A_341] : memref<32x32xf32, #tpu.memory_space<vmem>>[vector<16xi32>, vector<16xi32>], vector<16xf32>,
      %broadcast_in_dim3A_343 = arith.constant 4 : i32
      %broadcast_in_dim3A_344 = vector.broadcast %broadcast_in_dim3A_343 : i32 to vector<16xi32>
      %gather3A_345 = tpu.vector_load_idx %arg10[%add3A_330, %broadcast_in_dim3A_344] : memref<32x32xf32, #tpu.memory_space<vmem>>[vector<16xi32>, vector<16xi32>], vector<16xf32>,
      %broadcast_in_dim3A_346 = arith.constant 5 : i32
      %broadcast_in_dim3A_347 = vector.broadcast %broadcast_in_dim3A_346 : i32 to vector<16xi32>
      %gather3A_348 = tpu.vector_load_idx %arg10[%add3A_330, %broadcast_in_dim3A_347] : memref<32x32xf32, #tpu.memory_space<vmem>>[vector<16xi32>, vector<16xi32>], vector<16xf32>,
      %broadcast_in_dim3A_349 = arith.constant 6 : i32
      %broadcast_in_dim3A_350 = vector.broadcast %broadcast_in_dim3A_349 : i32 to vector<16xi32>
      %gather3A_351 = tpu.vector_load_idx %arg10[%add3A_330, %broadcast_in_dim3A_350] : memref<32x32xf32, #tpu.memory_space<vmem>>[vector<16xi32>, vector<16xi32>], vector<16xf32>,
      %broadcast_in_dim3A_352 = arith.constant 7 : i32
      %broadcast_in_dim3A_353 = vector.broadcast %broadcast_in_dim3A_352 : i32 to vector<16xi32>
      %gather3A_354 = tpu.vector_load_idx %arg10[%add3A_330, %broadcast_in_dim3A_353] : memref<32x32xf32, #tpu.memory_space<vmem>>[vector<16xi32>, vector<16xi32>], vector<16xf32>,
      %broadcast_in_dim3A_355 = arith.constant 8 : i32
      %broadcast_in_dim3A_356 = vector.broadcast %broadcast_in_dim3A_355 : i32 to vector<16xi32>
      %gather3A_357 = tpu.vector_load_idx %arg10[%add3A_330, %broadcast_in_dim3A_356] : memref<32x32xf32, #tpu.memory_space<vmem>>[vector<16xi32>, vector<16xi32>], vector<16xf32>,
      %broadcast_in_dim3A_358 = arith.constant 9 : i32
      %broadcast_in_dim3A_359 = vector.broadcast %broadcast_in_dim3A_358 : i32 to vector<16xi32>
      %gather3A_360 = tpu.vector_load_idx %arg10[%add3A_330, %broadcast_in_dim3A_359] : memref<32x32xf32, #tpu.memory_space<vmem>>[vector<16xi32>, vector<16xi32>], vector<16xf32>,
      %broadcast_in_dim3A_361 = arith.constant 10 : i32
      %broadcast_in_dim3A_362 = vector.broadcast %broadcast_in_dim3A_361 : i32 to vector<16xi32>
      %gather3A_363 = tpu.vector_load_idx %arg10[%add3A_330, %broadcast_in_dim3A_362] : memref<32x32xf32, #tpu.memory_space<vmem>>[vector<16xi32>, vector<16xi32>], vector<16xf32>,
      %broadcast_in_dim3A_364 = arith.constant 11 : i32
      %broadcast_in_dim3A_365 = vector.broadcast %broadcast_in_dim3A_364 : i32 to vector<16xi32>
      %gather3A_366 = tpu.vector_load_idx %arg10[%add3A_330, %broadcast_in_dim3A_365] : memref<32x32xf32, #tpu.memory_space<vmem>>[vector<16xi32>, vector<16xi32>], vector<16xf32>,
      %broadcast_in_dim3A_367 = arith.constant 12 : i32
      %broadcast_in_dim3A_368 = vector.broadcast %broadcast_in_dim3A_367 : i32 to vector<16xi32>
      %gather3A_369 = tpu.vector_load_idx %arg10[%add3A_330, %broadcast_in_dim3A_368] : memref<32x32xf32, #tpu.memory_space<vmem>>[vector<16xi32>, vector<16xi32>], vector<16xf32>,
      %broadcast_in_dim3A_370 = arith.constant 13 : i32
      %broadcast_in_dim3A_371 = vector.broadcast %broadcast_in_dim3A_370 : i32 to vector<16xi32>
      %gather3A_372 = tpu.vector_load_idx %arg10[%add3A_330, %broadcast_in_dim3A_371] : memref<32x32xf32, #tpu.memory_space<vmem>>[vector<16xi32>, vector<16xi32>], vector<16xf32>,
      %broadcast_in_dim3A_373 = arith.constant 14 : i32
      %broadcast_in_dim3A_374 = vector.broadcast %broadcast_in_dim3A_373 : i32 to vector<16xi32>
      %gather3A_375 = tpu.vector_load_idx %arg10[%add3A_330, %broadcast_in_dim3A_374] : memref<32x32xf32, #tpu.memory_space<vmem>>[vector<16xi32>, vector<16xi32>], vector<16xf32>,
      %broadcast_in_dim3A_376 = arith.constant 15 : i32
      %broadcast_in_dim3A_377 = vector.broadcast %broadcast_in_dim3A_376 : i32 to vector<16xi32>
      %gather3A_378 = tpu.vector_load_idx %arg10[%add3A_330, %broadcast_in_dim3A_377] : memref<32x32xf32, #tpu.memory_space<vmem>>[vector<16xi32>, vector<16xi32>], vector<16xf32>,
      %broadcast_in_dim3A_379 = arith.constant 16 : i32
      %broadcast_in_dim3A_380 = vector.broadcast %broadcast_in_dim3A_379 : i32 to vector<16xi32>
      %gather3A_381 = tpu.vector_load_idx %arg10[%add3A_330, %broadcast_in_dim3A_380] : memref<32x32xf32, #tpu.memory_space<vmem>>[vector<16xi32>, vector<16xi32>], vector<16xf32>,
      %broadcast_in_dim3A_382 = arith.constant 17 : i32
      %broadcast_in_dim3A_383 = vector.broadcast %broadcast_in_dim3A_382 : i32 to vector<16xi32>
      %gather3A_384 = tpu.vector_load_idx %arg10[%add3A_330, %broadcast_in_dim3A_383] : memref<32x32xf32, #tpu.memory_space<vmem>>[vector<16xi32>, vector<16xi32>], vector<16xf32>,
      %broadcast_in_dim3A_385 = arith.constant 18 : i32
      %broadcast_in_dim3A_386 = vector.broadcast %broadcast_in_dim3A_385 : i32 to vector<16xi32>
      %gather3A_387 = tpu.vector_load_idx %arg10[%add3A_330, %broadcast_in_dim3A_386] : memref<32x32xf32, #tpu.memory_space<vmem>>[vector<16xi32>, vector<16xi32>], vector<16xf32>,
      %broadcast_in_dim3A_388 = arith.constant 19 : i32
      %broadcast_in_dim3A_389 = vector.broadcast %broadcast_in_dim3A_388 : i32 to vector<16xi32>
      %gather3A_390 = tpu.vector_load_idx %arg10[%add3A_330, %broadcast_in_dim3A_389] : memref<32x32xf32, #tpu.memory_space<vmem>>[vector<16xi32>, vector<16xi32>], vector<16xf32>,
      %broadcast_in_dim3A_391 = arith.constant 20 : i32
      %broadcast_in_dim3A_392 = vector.broadcast %broadcast_in_dim3A_391 : i32 to vector<16xi32>
      %gather3A_393 = tpu.vector_load_idx %arg10[%add3A_330, %broadcast_in_dim3A_392] : memref<32x32xf32, #tpu.memory_space<vmem>>[vector<16xi32>, vector<16xi32>], vector<16xf32>,
      %broadcast_in_dim3A_394 = arith.constant 21 : i32
      %broadcast_in_dim3A_395 = vector.broadcast %broadcast_in_dim3A_394 : i32 to vector<16xi32>
      %gather3A_396 = tpu.vector_load_idx %arg10[%add3A_330, %broadcast_in_dim3A_395] : memref<32x32xf32, #tpu.memory_space<vmem>>[vector<16xi32>, vector<16xi32>], vector<16xf32>,
      %broadcast_in_dim3A_397 = arith.constant 22 : i32
      %broadcast_in_dim3A_398 = vector.broadcast %broadcast_in_dim3A_397 : i32 to vector<16xi32>
      %gather3A_399 = tpu.vector_load_idx %arg10[%add3A_330, %broadcast_in_dim3A_398] : memref<32x32xf32, #tpu.memory_space<vmem>>[vector<16xi32>, vector<16xi32>], vector<16xf32>,
      %broadcast_in_dim3A_400 = arith.constant 23 : i32
      %broadcast_in_dim3A_401 = vector.broadcast %broadcast_in_dim3A_400 : i32 to vector<16xi32>
      %gather3A_402 = tpu.vector_load_idx %arg10[%add3A_330, %broadcast_in_dim3A_401] : memref<32x32xf32, #tpu.memory_space<vmem>>[vector<16xi32>, vector<16xi32>], vector<16xf32>,
      %broadcast_in_dim3A_403 = arith.constant 24 : i32
      %broadcast_in_dim3A_404 = vector.broadcast %broadcast_in_dim3A_403 : i32 to vector<16xi32>
      %gather3A_405 = tpu.vector_load_idx %arg10[%add3A_330, %broadcast_in_dim3A_404] : memref<32x32xf32, #tpu.memory_space<vmem>>[vector<16xi32>, vector<16xi32>], vector<16xf32>,
      %broadcast_in_dim3A_406 = arith.constant 25 : i32
      %broadcast_in_dim3A_407 = vector.broadcast %broadcast_in_dim3A_406 : i32 to vector<16xi32>
      %gather3A_408 = tpu.vector_load_idx %arg10[%add3A_330, %broadcast_in_dim3A_407] : memref<32x32xf32, #tpu.memory_space<vmem>>[vector<16xi32>, vector<16xi32>], vector<16xf32>,
      %broadcast_in_dim3A_409 = arith.constant 26 : i32
      %broadcast_in_dim3A_410 = vector.broadcast %broadcast_in_dim3A_409 : i32 to vector<16xi32>
      %gather3A_411 = tpu.vector_load_idx %arg10[%add3A_330, %broadcast_in_dim3A_410] : memref<32x32xf32, #tpu.memory_space<vmem>>[vector<16xi32>, vector<16xi32>], vector<16xf32>,
      %broadcast_in_dim3A_412 = arith.constant 27 : i32
      %broadcast_in_dim3A_413 = vector.broadcast %broadcast_in_dim3A_412 : i32 to vector<16xi32>
      %gather3A_414 = tpu.vector_load_idx %arg10[%add3A_330, %broadcast_in_dim3A_413] : memref<32x32xf32, #tpu.memory_space<vmem>>[vector<16xi32>, vector<16xi32>], vector<16xf32>,
      %broadcast_in_dim3A_415 = arith.constant 28 : i32
      %broadcast_in_dim3A_416 = vector.broadcast %broadcast_in_dim3A_415 : i32 to vector<16xi32>
      %gather3A_417 = tpu.vector_load_idx %arg10[%add3A_330, %broadcast_in_dim3A_416] : memref<32x32xf32, #tpu.memory_space<vmem>>[vector<16xi32>, vector<16xi32>], vector<16xf32>,
      %broadcast_in_dim3A_418 = arith.constant 29 : i32
      %broadcast_in_dim3A_419 = vector.broadcast %broadcast_in_dim3A_418 : i32 to vector<16xi32>
      %gather3A_420 = tpu.vector_load_idx %arg10[%add3A_330, %broadcast_in_dim3A_419] : memref<32x32xf32, #tpu.memory_space<vmem>>[vector<16xi32>, vector<16xi32>], vector<16xf32>,
      %broadcast_in_dim3A_421 = arith.constant 30 : i32
      %broadcast_in_dim3A_422 = vector.broadcast %broadcast_in_dim3A_421 : i32 to vector<16xi32>
      %gather3A_423 = tpu.vector_load_idx %arg10[%add3A_330, %broadcast_in_dim3A_422] : memref<32x32xf32, #tpu.memory_space<vmem>>[vector<16xi32>, vector<16xi32>], vector<16xf32>,
      %broadcast_in_dim3A_424 = arith.constant 31 : i32
      %broadcast_in_dim3A_425 = vector.broadcast %broadcast_in_dim3A_424 : i32 to vector<16xi32>
      %gather3A_426 = tpu.vector_load_idx %arg10[%add3A_330, %broadcast_in_dim3A_425] : memref<32x32xf32, #tpu.memory_space<vmem>>[vector<16xi32>, vector<16xi32>], vector<16xf32>,
      %parallel_loop3A_427 = arith.constant 0 : i32
      %parallel_loop3A_428 = arith.constant 50 : i32
      %parallel_loop3A_429 = arith.constant 1 : i32
      scf.for %parallel_loop3A_430 = %parallel_loop3A_427 to %parallel_loop3A_428 step %parallel_loop3A_429  : i32 {
        %parallel_loop3A_431 = arith.constant 50 : i32
        %parallel_loop3A_432 = vector.broadcast %parallel_loop3A_431 : i32 to vector<16xi32>
        %parallel_loop3A_433 = arith.muli %iota3A, %parallel_loop3A_432 : vector<16xi32>
        %parallel_loop3A_434 = arith.constant 800 : i32
        %parallel_loop3A_435 = arith.addi %parallel_loop3A_434, %parallel_loop3A_430 : i32
        %parallel_loop3A_436 = vector.broadcast %parallel_loop3A_435 : i32 to vector<16xi32>
        %parallel_loop3A_437 = arith.addi %parallel_loop3A_433, %parallel_loop3A_436 : vector<16xi32>
        %parallel_loop3A_438 = arith.constant 0.000000e+00 : f32
        %parallel_loop3A_439 = vector.broadcast %parallel_loop3A_438 : f32 to vector<16xf32>
        %parallel_loop3A_440 = arith.constant 0 : i32
        %parallel_loop3A_441 = vector.broadcast %parallel_loop3A_440 : i32 to vector<16xi32>
        %parallel_loop3A_442 = tpu.vector_load_idx %arg9[%parallel_loop3A_437, %parallel_loop3A_441] : memref<1600x32xf32, #tpu.memory_space<vmem>>[vector<16xi32>, vector<16xi32>], vector<16xf32>,
        %parallel_loop3A_443 = arith.mulf %parallel_loop3A_442, %gather3A_333 : vector<16xf32>
        %parallel_loop3A_444 = arith.addf %parallel_loop3A_439, %parallel_loop3A_443 : vector<16xf32>
        %parallel_loop3A_445 = arith.constant 1 : i32
        %parallel_loop3A_446 = vector.broadcast %parallel_loop3A_445 : i32 to vector<16xi32>
        %parallel_loop3A_447 = tpu.vector_load_idx %arg9[%parallel_loop3A_437, %parallel_loop3A_446] : memref<1600x32xf32, #tpu.memory_space<vmem>>[vector<16xi32>, vector<16xi32>], vector<16xf32>,
        %parallel_loop3A_448 = arith.mulf %parallel_loop3A_447, %gather3A_336 : vector<16xf32>
        %parallel_loop3A_449 = arith.addf %parallel_loop3A_444, %parallel_loop3A_448 : vector<16xf32>
        %parallel_loop3A_450 = arith.constant 2 : i32
        %parallel_loop3A_451 = vector.broadcast %parallel_loop3A_450 : i32 to vector<16xi32>
        %parallel_loop3A_452 = tpu.vector_load_idx %arg9[%parallel_loop3A_437, %parallel_loop3A_451] : memref<1600x32xf32, #tpu.memory_space<vmem>>[vector<16xi32>, vector<16xi32>], vector<16xf32>,
        %parallel_loop3A_453 = arith.mulf %parallel_loop3A_452, %gather3A_339 : vector<16xf32>
        %parallel_loop3A_454 = arith.addf %parallel_loop3A_449, %parallel_loop3A_453 : vector<16xf32>
        %parallel_loop3A_455 = arith.constant 3 : i32
        %parallel_loop3A_456 = vector.broadcast %parallel_loop3A_455 : i32 to vector<16xi32>
        %parallel_loop3A_457 = tpu.vector_load_idx %arg9[%parallel_loop3A_437, %parallel_loop3A_456] : memref<1600x32xf32, #tpu.memory_space<vmem>>[vector<16xi32>, vector<16xi32>], vector<16xf32>,
        %parallel_loop3A_458 = arith.mulf %parallel_loop3A_457, %gather3A_342 : vector<16xf32>
        %parallel_loop3A_459 = arith.addf %parallel_loop3A_454, %parallel_loop3A_458 : vector<16xf32>
        %parallel_loop3A_460 = arith.constant 4 : i32
        %parallel_loop3A_461 = vector.broadcast %parallel_loop3A_460 : i32 to vector<16xi32>
        %parallel_loop3A_462 = tpu.vector_load_idx %arg9[%parallel_loop3A_437, %parallel_loop3A_461] : memref<1600x32xf32, #tpu.memory_space<vmem>>[vector<16xi32>, vector<16xi32>], vector<16xf32>,
        %parallel_loop3A_463 = arith.mulf %parallel_loop3A_462, %gather3A_345 : vector<16xf32>
        %parallel_loop3A_464 = arith.addf %parallel_loop3A_459, %parallel_loop3A_463 : vector<16xf32>
        %parallel_loop3A_465 = arith.constant 5 : i32
        %parallel_loop3A_466 = vector.broadcast %parallel_loop3A_465 : i32 to vector<16xi32>
        %parallel_loop3A_467 = tpu.vector_load_idx %arg9[%parallel_loop3A_437, %parallel_loop3A_466] : memref<1600x32xf32, #tpu.memory_space<vmem>>[vector<16xi32>, vector<16xi32>], vector<16xf32>,
        %parallel_loop3A_468 = arith.mulf %parallel_loop3A_467, %gather3A_348 : vector<16xf32>
        %parallel_loop3A_469 = arith.addf %parallel_loop3A_464, %parallel_loop3A_468 : vector<16xf32>
        %parallel_loop3A_470 = arith.constant 6 : i32
        %parallel_loop3A_471 = vector.broadcast %parallel_loop3A_470 : i32 to vector<16xi32>
        %parallel_loop3A_472 = tpu.vector_load_idx %arg9[%parallel_loop3A_437, %parallel_loop3A_471] : memref<1600x32xf32, #tpu.memory_space<vmem>>[vector<16xi32>, vector<16xi32>], vector<16xf32>,
        %parallel_loop3A_473 = arith.mulf %parallel_loop3A_472, %gather3A_351 : vector<16xf32>
        %parallel_loop3A_474 = arith.addf %parallel_loop3A_469, %parallel_loop3A_473 : vector<16xf32>
        %parallel_loop3A_475 = arith.constant 7 : i32
        %parallel_loop3A_476 = vector.broadcast %parallel_loop3A_475 : i32 to vector<16xi32>
        %parallel_loop3A_477 = tpu.vector_load_idx %arg9[%parallel_loop3A_437, %parallel_loop3A_476] : memref<1600x32xf32, #tpu.memory_space<vmem>>[vector<16xi32>, vector<16xi32>], vector<16xf32>,
        %parallel_loop3A_478 = arith.mulf %parallel_loop3A_477, %gather3A_354 : vector<16xf32>
        %parallel_loop3A_479 = arith.addf %parallel_loop3A_474, %parallel_loop3A_478 : vector<16xf32>
        %parallel_loop3A_480 = arith.constant 8 : i32
        %parallel_loop3A_481 = vector.broadcast %parallel_loop3A_480 : i32 to vector<16xi32>
        %parallel_loop3A_482 = tpu.vector_load_idx %arg9[%parallel_loop3A_437, %parallel_loop3A_481] : memref<1600x32xf32, #tpu.memory_space<vmem>>[vector<16xi32>, vector<16xi32>], vector<16xf32>,
        %parallel_loop3A_483 = arith.mulf %parallel_loop3A_482, %gather3A_357 : vector<16xf32>
        %parallel_loop3A_484 = arith.addf %parallel_loop3A_479, %parallel_loop3A_483 : vector<16xf32>
        %parallel_loop3A_485 = arith.constant 9 : i32
        %parallel_loop3A_486 = vector.broadcast %parallel_loop3A_485 : i32 to vector<16xi32>
        %parallel_loop3A_487 = tpu.vector_load_idx %arg9[%parallel_loop3A_437, %parallel_loop3A_486] : memref<1600x32xf32, #tpu.memory_space<vmem>>[vector<16xi32>, vector<16xi32>], vector<16xf32>,
        %parallel_loop3A_488 = arith.mulf %parallel_loop3A_487, %gather3A_360 : vector<16xf32>
        %parallel_loop3A_489 = arith.addf %parallel_loop3A_484, %parallel_loop3A_488 : vector<16xf32>
        %parallel_loop3A_490 = arith.constant 10 : i32
        %parallel_loop3A_491 = vector.broadcast %parallel_loop3A_490 : i32 to vector<16xi32>
        %parallel_loop3A_492 = tpu.vector_load_idx %arg9[%parallel_loop3A_437, %parallel_loop3A_491] : memref<1600x32xf32, #tpu.memory_space<vmem>>[vector<16xi32>, vector<16xi32>], vector<16xf32>,
        %parallel_loop3A_493 = arith.mulf %parallel_loop3A_492, %gather3A_363 : vector<16xf32>
        %parallel_loop3A_494 = arith.addf %parallel_loop3A_489, %parallel_loop3A_493 : vector<16xf32>
        %parallel_loop3A_495 = arith.constant 11 : i32
        %parallel_loop3A_496 = vector.broadcast %parallel_loop3A_495 : i32 to vector<16xi32>
        %parallel_loop3A_497 = tpu.vector_load_idx %arg9[%parallel_loop3A_437, %parallel_loop3A_496] : memref<1600x32xf32, #tpu.memory_space<vmem>>[vector<16xi32>, vector<16xi32>], vector<16xf32>,
        %parallel_loop3A_498 = arith.mulf %parallel_loop3A_497, %gather3A_366 : vector<16xf32>
        %parallel_loop3A_499 = arith.addf %parallel_loop3A_494, %parallel_loop3A_498 : vector<16xf32>
        %parallel_loop3A_500 = arith.constant 12 : i32
        %parallel_loop3A_501 = vector.broadcast %parallel_loop3A_500 : i32 to vector<16xi32>
        %parallel_loop3A_502 = tpu.vector_load_idx %arg9[%parallel_loop3A_437, %parallel_loop3A_501] : memref<1600x32xf32, #tpu.memory_space<vmem>>[vector<16xi32>, vector<16xi32>], vector<16xf32>,
        %parallel_loop3A_503 = arith.mulf %parallel_loop3A_502, %gather3A_369 : vector<16xf32>
        %parallel_loop3A_504 = arith.addf %parallel_loop3A_499, %parallel_loop3A_503 : vector<16xf32>
        %parallel_loop3A_505 = arith.constant 13 : i32
        %parallel_loop3A_506 = vector.broadcast %parallel_loop3A_505 : i32 to vector<16xi32>
        %parallel_loop3A_507 = tpu.vector_load_idx %arg9[%parallel_loop3A_437, %parallel_loop3A_506] : memref<1600x32xf32, #tpu.memory_space<vmem>>[vector<16xi32>, vector<16xi32>], vector<16xf32>,
        %parallel_loop3A_508 = arith.mulf %parallel_loop3A_507, %gather3A_372 : vector<16xf32>
        %parallel_loop3A_509 = arith.addf %parallel_loop3A_504, %parallel_loop3A_508 : vector<16xf32>
        %parallel_loop3A_510 = arith.constant 14 : i32
        %parallel_loop3A_511 = vector.broadcast %parallel_loop3A_510 : i32 to vector<16xi32>
        %parallel_loop3A_512 = tpu.vector_load_idx %arg9[%parallel_loop3A_437, %parallel_loop3A_511] : memref<1600x32xf32, #tpu.memory_space<vmem>>[vector<16xi32>, vector<16xi32>], vector<16xf32>,
        %parallel_loop3A_513 = arith.mulf %parallel_loop3A_512, %gather3A_375 : vector<16xf32>
        %parallel_loop3A_514 = arith.addf %parallel_loop3A_509, %parallel_loop3A_513 : vector<16xf32>
        %parallel_loop3A_515 = arith.constant 15 : i32
        %parallel_loop3A_516 = vector.broadcast %parallel_loop3A_515 : i32 to vector<16xi32>
        %parallel_loop3A_517 = tpu.vector_load_idx %arg9[%parallel_loop3A_437, %parallel_loop3A_516] : memref<1600x32xf32, #tpu.memory_space<vmem>>[vector<16xi32>, vector<16xi32>], vector<16xf32>,
        %parallel_loop3A_518 = arith.mulf %parallel_loop3A_517, %gather3A_378 : vector<16xf32>
        %parallel_loop3A_519 = arith.addf %parallel_loop3A_514, %parallel_loop3A_518 : vector<16xf32>
        %parallel_loop3A_520 = arith.constant 16 : i32
        %parallel_loop3A_521 = vector.broadcast %parallel_loop3A_520 : i32 to vector<16xi32>
        %parallel_loop3A_522 = tpu.vector_load_idx %arg9[%parallel_loop3A_437, %parallel_loop3A_521] : memref<1600x32xf32, #tpu.memory_space<vmem>>[vector<16xi32>, vector<16xi32>], vector<16xf32>,
        %parallel_loop3A_523 = arith.mulf %parallel_loop3A_522, %gather3A_381 : vector<16xf32>
        %parallel_loop3A_524 = arith.addf %parallel_loop3A_519, %parallel_loop3A_523 : vector<16xf32>
        %parallel_loop3A_525 = arith.constant 17 : i32
        %parallel_loop3A_526 = vector.broadcast %parallel_loop3A_525 : i32 to vector<16xi32>
        %parallel_loop3A_527 = tpu.vector_load_idx %arg9[%parallel_loop3A_437, %parallel_loop3A_526] : memref<1600x32xf32, #tpu.memory_space<vmem>>[vector<16xi32>, vector<16xi32>], vector<16xf32>,
        %parallel_loop3A_528 = arith.mulf %parallel_loop3A_527, %gather3A_384 : vector<16xf32>
        %parallel_loop3A_529 = arith.addf %parallel_loop3A_524, %parallel_loop3A_528 : vector<16xf32>
        %parallel_loop3A_530 = arith.constant 18 : i32
        %parallel_loop3A_531 = vector.broadcast %parallel_loop3A_530 : i32 to vector<16xi32>
        %parallel_loop3A_532 = tpu.vector_load_idx %arg9[%parallel_loop3A_437, %parallel_loop3A_531] : memref<1600x32xf32, #tpu.memory_space<vmem>>[vector<16xi32>, vector<16xi32>], vector<16xf32>,
        %parallel_loop3A_533 = arith.mulf %parallel_loop3A_532, %gather3A_387 : vector<16xf32>
        %parallel_loop3A_534 = arith.addf %parallel_loop3A_529, %parallel_loop3A_533 : vector<16xf32>
        %parallel_loop3A_535 = arith.constant 19 : i32
        %parallel_loop3A_536 = vector.broadcast %parallel_loop3A_535 : i32 to vector<16xi32>
        %parallel_loop3A_537 = tpu.vector_load_idx %arg9[%parallel_loop3A_437, %parallel_loop3A_536] : memref<1600x32xf32, #tpu.memory_space<vmem>>[vector<16xi32>, vector<16xi32>], vector<16xf32>,
        %parallel_loop3A_538 = arith.mulf %parallel_loop3A_537, %gather3A_390 : vector<16xf32>
        %parallel_loop3A_539 = arith.addf %parallel_loop3A_534, %parallel_loop3A_538 : vector<16xf32>
        %parallel_loop3A_540 = arith.constant 20 : i32
        %parallel_loop3A_541 = vector.broadcast %parallel_loop3A_540 : i32 to vector<16xi32>
        %parallel_loop3A_542 = tpu.vector_load_idx %arg9[%parallel_loop3A_437, %parallel_loop3A_541] : memref<1600x32xf32, #tpu.memory_space<vmem>>[vector<16xi32>, vector<16xi32>], vector<16xf32>,
        %parallel_loop3A_543 = arith.mulf %parallel_loop3A_542, %gather3A_393 : vector<16xf32>
        %parallel_loop3A_544 = arith.addf %parallel_loop3A_539, %parallel_loop3A_543 : vector<16xf32>
        %parallel_loop3A_545 = arith.constant 21 : i32
        %parallel_loop3A_546 = vector.broadcast %parallel_loop3A_545 : i32 to vector<16xi32>
        %parallel_loop3A_547 = tpu.vector_load_idx %arg9[%parallel_loop3A_437, %parallel_loop3A_546] : memref<1600x32xf32, #tpu.memory_space<vmem>>[vector<16xi32>, vector<16xi32>], vector<16xf32>,
        %parallel_loop3A_548 = arith.mulf %parallel_loop3A_547, %gather3A_396 : vector<16xf32>
        %parallel_loop3A_549 = arith.addf %parallel_loop3A_544, %parallel_loop3A_548 : vector<16xf32>
        %parallel_loop3A_550 = arith.constant 22 : i32
        %parallel_loop3A_551 = vector.broadcast %parallel_loop3A_550 : i32 to vector<16xi32>
        %parallel_loop3A_552 = tpu.vector_load_idx %arg9[%parallel_loop3A_437, %parallel_loop3A_551] : memref<1600x32xf32, #tpu.memory_space<vmem>>[vector<16xi32>, vector<16xi32>], vector<16xf32>,
        %parallel_loop3A_553 = arith.mulf %parallel_loop3A_552, %gather3A_399 : vector<16xf32>
        %parallel_loop3A_554 = arith.addf %parallel_loop3A_549, %parallel_loop3A_553 : vector<16xf32>
        %parallel_loop3A_555 = arith.constant 23 : i32
        %parallel_loop3A_556 = vector.broadcast %parallel_loop3A_555 : i32 to vector<16xi32>
        %parallel_loop3A_557 = tpu.vector_load_idx %arg9[%parallel_loop3A_437, %parallel_loop3A_556] : memref<1600x32xf32, #tpu.memory_space<vmem>>[vector<16xi32>, vector<16xi32>], vector<16xf32>,
        %parallel_loop3A_558 = arith.mulf %parallel_loop3A_557, %gather3A_402 : vector<16xf32>
        %parallel_loop3A_559 = arith.addf %parallel_loop3A_554, %parallel_loop3A_558 : vector<16xf32>
        %parallel_loop3A_560 = arith.constant 24 : i32
        %parallel_loop3A_561 = vector.broadcast %parallel_loop3A_560 : i32 to vector<16xi32>
        %parallel_loop3A_562 = tpu.vector_load_idx %arg9[%parallel_loop3A_437, %parallel_loop3A_561] : memref<1600x32xf32, #tpu.memory_space<vmem>>[vector<16xi32>, vector<16xi32>], vector<16xf32>,
        %parallel_loop3A_563 = arith.mulf %parallel_loop3A_562, %gather3A_405 : vector<16xf32>
        %parallel_loop3A_564 = arith.addf %parallel_loop3A_559, %parallel_loop3A_563 : vector<16xf32>
        %parallel_loop3A_565 = arith.constant 25 : i32
        %parallel_loop3A_566 = vector.broadcast %parallel_loop3A_565 : i32 to vector<16xi32>
        %parallel_loop3A_567 = tpu.vector_load_idx %arg9[%parallel_loop3A_437, %parallel_loop3A_566] : memref<1600x32xf32, #tpu.memory_space<vmem>>[vector<16xi32>, vector<16xi32>], vector<16xf32>,
        %parallel_loop3A_568 = arith.mulf %parallel_loop3A_567, %gather3A_408 : vector<16xf32>
        %parallel_loop3A_569 = arith.addf %parallel_loop3A_564, %parallel_loop3A_568 : vector<16xf32>
        %parallel_loop3A_570 = arith.constant 26 : i32
        %parallel_loop3A_571 = vector.broadcast %parallel_loop3A_570 : i32 to vector<16xi32>
        %parallel_loop3A_572 = tpu.vector_load_idx %arg9[%parallel_loop3A_437, %parallel_loop3A_571] : memref<1600x32xf32, #tpu.memory_space<vmem>>[vector<16xi32>, vector<16xi32>], vector<16xf32>,
        %parallel_loop3A_573 = arith.mulf %parallel_loop3A_572, %gather3A_411 : vector<16xf32>
        %parallel_loop3A_574 = arith.addf %parallel_loop3A_569, %parallel_loop3A_573 : vector<16xf32>
        %parallel_loop3A_575 = arith.constant 27 : i32
        %parallel_loop3A_576 = vector.broadcast %parallel_loop3A_575 : i32 to vector<16xi32>
        %parallel_loop3A_577 = tpu.vector_load_idx %arg9[%parallel_loop3A_437, %parallel_loop3A_576] : memref<1600x32xf32, #tpu.memory_space<vmem>>[vector<16xi32>, vector<16xi32>], vector<16xf32>,
        %parallel_loop3A_578 = arith.mulf %parallel_loop3A_577, %gather3A_414 : vector<16xf32>
        %parallel_loop3A_579 = arith.addf %parallel_loop3A_574, %parallel_loop3A_578 : vector<16xf32>
        %parallel_loop3A_580 = arith.constant 28 : i32
        %parallel_loop3A_581 = vector.broadcast %parallel_loop3A_580 : i32 to vector<16xi32>
        %parallel_loop3A_582 = tpu.vector_load_idx %arg9[%parallel_loop3A_437, %parallel_loop3A_581] : memref<1600x32xf32, #tpu.memory_space<vmem>>[vector<16xi32>, vector<16xi32>], vector<16xf32>,
        %parallel_loop3A_583 = arith.mulf %parallel_loop3A_582, %gather3A_417 : vector<16xf32>
        %parallel_loop3A_584 = arith.addf %parallel_loop3A_579, %parallel_loop3A_583 : vector<16xf32>
        %parallel_loop3A_585 = arith.constant 29 : i32
        %parallel_loop3A_586 = vector.broadcast %parallel_loop3A_585 : i32 to vector<16xi32>
        %parallel_loop3A_587 = tpu.vector_load_idx %arg9[%parallel_loop3A_437, %parallel_loop3A_586] : memref<1600x32xf32, #tpu.memory_space<vmem>>[vector<16xi32>, vector<16xi32>], vector<16xf32>,
        %parallel_loop3A_588 = arith.mulf %parallel_loop3A_587, %gather3A_420 : vector<16xf32>
        %parallel_loop3A_589 = arith.addf %parallel_loop3A_584, %parallel_loop3A_588 : vector<16xf32>
        %parallel_loop3A_590 = arith.constant 30 : i32
        %parallel_loop3A_591 = vector.broadcast %parallel_loop3A_590 : i32 to vector<16xi32>
        %parallel_loop3A_592 = tpu.vector_load_idx %arg9[%parallel_loop3A_437, %parallel_loop3A_591] : memref<1600x32xf32, #tpu.memory_space<vmem>>[vector<16xi32>, vector<16xi32>], vector<16xf32>,
        %parallel_loop3A_593 = arith.mulf %parallel_loop3A_592, %gather3A_423 : vector<16xf32>
        %parallel_loop3A_594 = arith.addf %parallel_loop3A_589, %parallel_loop3A_593 : vector<16xf32>
        %parallel_loop3A_595 = arith.constant 31 : i32
        %parallel_loop3A_596 = vector.broadcast %parallel_loop3A_595 : i32 to vector<16xi32>
        %parallel_loop3A_597 = tpu.vector_load_idx %arg9[%parallel_loop3A_437, %parallel_loop3A_596] : memref<1600x32xf32, #tpu.memory_space<vmem>>[vector<16xi32>, vector<16xi32>], vector<16xf32>,
        %parallel_loop3A_598 = arith.mulf %parallel_loop3A_597, %gather3A_426 : vector<16xf32>
        %parallel_loop3A_599 = arith.addf %parallel_loop3A_594, %parallel_loop3A_598 : vector<16xf32>
        %parallel_loop3A_600 = arith.constant 0 : i32
        %parallel_loop3A_601 = vector.broadcast %parallel_loop3A_600 : i32 to vector<16xi32>
        %parallel_loop3A_602 = vector.broadcast %parallel_loop3A_430 : i32 to vector<16xi32>
        %parallel_loop3A_603 = arith.addi %parallel_loop3A_601, %parallel_loop3A_602 : vector<16xi32>
        tpu.vector_store_idx %arg11[%add3A_330, %parallel_loop3A_603], %parallel_loop3A_599 : memref<32x50xf32, #tpu.memory_space<vmem>>[vector<16xi32>, vector<16xi32>], vector<16xf32>,
      } {sc.loop_unroll_factor = 1 : i64, sc.parallel_access}
      "tpu.region"() ({
        %run_scoped3A = tpu.sem_alloc : memref<!tpu.dma_semaphore, #tpu.memory_space<semaphore_mem>>
        %dma_start3A_430 = arith.constant 0 : i32
        %dma_start3A_431 = tpu.memref_slice %arg6[%add3A_14, %dma_start3A_430] : memref<16384x50xf32, #tpu.memory_space<hbm>> -> memref<32x50xf32, #tpu.memory_space<hbm>>
        %dma_start3A_432 = arith.constant 0 : i32
        %dma_start3A_433 = tpu.memref_slice %arg6[%add3A_14, %dma_start3A_432] : memref<16384x50xf32, #tpu.memory_space<hbm>> -> memref<32x50xf32, #tpu.memory_space<hbm>>
        tpu.enqueue_dma source(%arg11 : memref<32x50xf32, #tpu.memory_space<vmem>>) target(%dma_start3A_433 : memref<32x50xf32, #tpu.memory_space<hbm>>) target_semaphore(%run_scoped3A : memref<!tpu.dma_semaphore, #tpu.memory_space<semaphore_mem>>)
        %dma_wait3A_434 = arith.constant 0 : i32
        %dma_wait3A_435 = tpu.memref_slice %arg6[%add3A_14, %dma_wait3A_434] : memref<16384x50xf32, #tpu.memory_space<hbm>> -> memref<32x50xf32, #tpu.memory_space<hbm>>
        %dma_wait3A_436 = arith.constant 0 : i32
        %dma_wait3A_437 = tpu.memref_slice %arg6[%add3A_14, %dma_wait3A_436] : memref<16384x50xf32, #tpu.memory_space<hbm>> -> memref<32x50xf32, #tpu.memory_space<hbm>>
        tpu.wait_dma2 semaphore(%run_scoped3A : memref<!tpu.dma_semaphore, #tpu.memory_space<semaphore_mem>>) src(%arg11 : memref<32x50xf32, #tpu.memory_space<vmem>>) dst(%dma_wait3A_437 : memref<32x50xf32, #tpu.memory_space<hbm>>)
        tpu.yield
      }) : () -> ()
    }
    %scan3A_6 = arith.constant 16 : i32
    return
  }
}

</mosaic_0001>

<sc_bundles>
// kernel: _mf.3.cloned.1.call-start
scs
__scs_entry_jumppad:
0x0: {  	(pc) =	sbr.rel $0x88, $3  }
0x1: {  	(tag) =	ssettag $0x0;
	lr =	simm.s32 $0x1  }
0x2: {  	[smem:$0x3F9D] =	sst lr;
	_ =	strace $0xD0000000  }
0x3: {  	_ = 	snop  }
0x4: {  	_ = 	snop  }
0x5: {  	_ = 	snop  }
0x6: {  	_ = 	snop  }
0x7: {  	_ = 	snop  }
__scs_overlays_trampoline_lowered:
0x8: {  	[smem:$0x3FAC] =	sst s0  }
0x9: {  	[smem:$0x3FAD] =	sst s1  }
0xa: {  	[smem:$0x3FAE] =	sst s2  }
0xb: {  	[smem:$0x3FAF] =	sst s3  }
0xc: {  	[smem:$0x3FB0] =	sst s4  }
0xd: {  	[smem:$0x3FB1] =	sst s5  }
0xe: {  	[smem:$0x3FB2] =	sst s6  }
0xf: {  	[smem:$0x3FB3] =	sst s7  }
0x10: {  	[smem:$0x3FB4] =	sst s8  }
0x11: {  	[smem:$0x3FB5] =	sst s9;
	s0 =	simm.s32 @!p0 $0x0  }
0x12: {  	s1 =	sld [smem:$0x3F9B];
	s0 =	simm.s32 @p0 $0x1  }
0x13: {  	[smem:$0x3FB6] =	sst s0;
	s0 =	simm.s32 @!p1 $0x0  }
0x14: {  	s2 =	sld [smem:$0x3F9A];
	s0 =	simm.s32 @p1 $0x1  }
0x15: {  	[smem:$0x3FB7] =	sst s0;
	s0 =	simm.s32 @!p2 $0x0  }
0x16: {  	s3 =	sld [smem:$0x3FDB];
	s0 =	simm.s32 @p2 $0x1  }
0x17: {  	s4 =	simm.s32 $0x1BF5;
	[smem:$0x3FB9] =	sst s0  }
0x18: {  	s0 =	sld [smem:$0x3F9C];
	_ =	swait.ge [sflag:s4], $0x0  }
0x19: {  	s7 =	sld [smem:$0x3F9D]  }
0x1a: {  	s8 =	sadd.s32 $0xFFFFE003, lr  }
0x1b: {  	s9 =	sadd.s32 $0xFFFFFEF7, lr;
	s5 =	simm.s32 $0xFFFFFFFF;
	p2 =	slt.u32 s8, $0xFFFFF086  }
0x1c: {  	p1 =	slt.u32 s9, $0xF7A;
	s5 =	simm.s32 @!p2 $0x0  }
0x1d: {  	s5 =	simm.s32 @p1 $0x1;
	p0 =	seq.s32 s7, s2  }
0x1e: {  	s7 =	smul.u32 @!p0 $0xF7A, s2;
	p2 =	seq.s32 @!p0 s5, $0x0  }
0x1f: {  	s9 =	smul.u32 $0xF7A, s1;
	s8 =	simm.s32 @!p0 $0x1BF5;
	p2 =	por !p2, p0  }
0x20: {  	[sflag:s8] =	ssyncset.s32 @!p0 $0xFFFFF086;
	s6 =	sadd.s32 @!p0 s3, s7;
	s7 =	simm.s32 @!p0 $0x108  }
0x21: {  	s3 =	sadd.s32 s3, s9;
	s6 =	sadd.s32 @!p0 $0x88, s6;
	s7 =	simm.s32 @p2 $0x1082  }
0x22: {  	[simem:s7], [sflag:s8] =	dma.local @!p0 [hbm:s6], $0xF7A  }
0x23: {  	s9 =	sor.u32 $0xD0000000, s2;
	s6 =	simm.s32 $0x108;
	_ =	swait.ge @!p0 [sflag:s8], $0x0  }
0x24: {  	s3 =	sadd.s32 $0x88, s3;
	s6 =	simm.s32 @!p1 $0x1082;
	[sflag:s4] =	ssyncset.s32 $0xFFFFF086  }
0x25: {  	[simem:s6], [sflag:s4] =	dma.local [hbm:s3], $0xF7A  }
0x26: {  	[smem:$0x3F9D] =	sst s1;
	(tag) =	ssettag s2;
	_ =	strace s9  }
0x27: {  	s1 =	sld [smem:$0x3FAD]  }
0x28: {  	s2 =	sld [smem:$0x3FAE]  }
0x29: {  	s4 =	sld [smem:$0x3FB0]  }
0x2a: {  	p0 =	seq.s32 s5, $0x0;
	s5 =	sld [smem:$0x3FB1]  }
0x2b: {  	s6 =	sld [smem:$0x3FB2]  }
0x2c: {  	s7 =	sld [smem:$0x3FB3]  }
0x2d: {  	s3 =	simm.s32 $0x108;
	s8 =	sld [smem:$0x3FB4]  }
0x2e: {  	s3 =	simm.s32 @!p0 $0x1082;
	s9 =	sld [smem:$0x3FB5]  }
0x2f: {  	lr =	sadd.s32 s0, s3;
	s0 =	sld [smem:$0x3FAC]  }
0x30: {  	s3 =	sld [smem:$0x3FAF]  }
0x31: {  	[smem:$0x3FB8] =	sst s10  }
0x32: {  	s10 =	sld [smem:$0x3FB6];
	_ =	sdelay $0x3  }
0x33: {  	p0 =	seq.s32 s10, $0x1;
	s10 =	sld [smem:$0x3FB8];
	_ =	sdelay $0x3  }
0x34: {  	[smem:$0x3FB8] =	sst s10  }
0x35: {  	s10 =	sld [smem:$0x3FB7];
	_ =	sdelay $0x3  }
0x36: {  	p1 =	seq.s32 s10, $0x1;
	s10 =	sld [smem:$0x3FB8];
	_ =	sdelay $0x3  }
0x37: {  	[smem:$0x3FB8] =	sst s10  }
0x38: {  	s10 =	sld [smem:$0x3FB9]  }
0x39: {  	_ = 	snop;
	(pc) =	sbr.ind lr, $3  }
0x3a: {  	_ = 	snop  }
0x3b: {  	_ = 	snop  }
0x3c: {  	p2 =	seq.s32 s10, $0x1;
	s10 =	sld [smem:$0x3FB8]  }
0x3d: {  	_ =	shalt  }
0x3e: {  	_ =	shalt  }
0x3f: {  	_ =	shalt  }
0x40: {  	_ =	shalt  }
0x41: {  	_ =	shalt  }
0x42: {  	_ =	shalt  }
0x43: {  	_ =	shalt  }
0x44: {  	_ =	shalt  }
0x45: {  	_ =	shalt  }
0x46: {  	_ =	shalt  }
0x47: {  	_ =	shalt  }
0x48: {  	_ =	shalt  }
0x49: {  	_ =	shalt  }
0x4a: {  	_ =	shalt  }
0x4b: {  	_ =	shalt  }
0x4c: {  	_ =	shalt  }
0x4d: {  	_ =	shalt  }
0x4e: {  	_ =	shalt  }
0x4f: {  	_ =	shalt  }
0x50: {  	_ =	shalt  }
0x51: {  	_ =	shalt  }
0x52: {  	_ =	shalt  }
0x53: {  	_ =	shalt  }
0x54: {  	_ =	shalt  }
0x55: {  	_ =	shalt  }
0x56: {  	_ =	shalt  }
0x57: {  	_ =	shalt  }
0x58: {  	_ =	shalt  }
0x59: {  	_ =	shalt  }
0x5a: {  	_ =	shalt  }
0x5b: {  	_ =	shalt  }
0x5c: {  	_ =	shalt  }
0x5d: {  	_ =	shalt  }
0x5e: {  	_ =	shalt  }
0x5f: {  	_ =	shalt  }
0x60: {  	_ =	shalt  }
0x61: {  	_ =	shalt  }
0x62: {  	_ =	shalt  }
0x63: {  	_ =	shalt  }
0x64: {  	_ =	shalt  }
0x65: {  	_ =	shalt  }
0x66: {  	_ =	shalt  }
0x67: {  	_ =	shalt  }
0x68: {  	_ =	shalt  }
0x69: {  	_ =	shalt  }
0x6a: {  	_ =	shalt  }
0x6b: {  	_ =	shalt  }
0x6c: {  	_ =	shalt  }
0x6d: {  	_ =	shalt  }
0x6e: {  	_ =	shalt  }
0x6f: {  	_ =	shalt  }
0x70: {  	_ =	shalt  }
0x71: {  	_ =	shalt  }
0x72: {  	_ =	shalt  }
0x73: {  	_ =	shalt  }
0x74: {  	_ =	shalt  }
0x75: {  	_ =	shalt  }
0x76: {  	_ =	shalt  }
0x77: {  	_ =	shalt  }
0x78: {  	_ =	shalt  }
0x79: {  	_ =	shalt  }
0x7a: {  	_ =	shalt  }
0x7b: {  	_ =	shalt  }
0x7c: {  	_ =	shalt  }
0x7d: {  	_ =	shalt  }
0x7e: {  	_ =	shalt  }
0x7f: {  	_ =	shalt  }
0x80: {  	_ =	shalt  }
0x81: {  	_ =	shalt  }
0x82: {  	_ =	shalt  }
0x83: {  	_ =	shalt  }
0x84: {  	_ =	shalt  }
0x85: {  	_ =	shalt  }
0x86: {  	_ =	shalt  }
0x87: {  	_ =	shalt  }
.Lfunc_end0:
.L_simem_size_0:
called_computation_lowered:
.L_overlay_start_0:
0x88: {  	s2 =	sld [smem:$0x3FD9]  }
0x89: {  	s3 =	sld [smem:$0x3FFE];
	_ =	sdelay $0x1  }
0x8a: {  	s1 =	srdreg.scid  }
0x8b: {  	s0 =	sand.u32 $0x1, s1  }
0x8c: {  	s17 =	sshll.u32 s0, $0xA;
	s2 =	sadd.s32 s3, s2  }
0x8d: {  	s2 =	sadd.s32 s2, s17  }
0x8e: {  	[smem:$0x3FC4] =	sst s2  }
0x8f: {  	_ = 	snop  }
0x90: {  	s2 =	sld [smem:$0x3FC9]  }
0x91: {  	s18 =	sld [smem:$0x3FC8]  }
0x92: {  	s4 =	sld [smem:$0x3FD0];
	(tm) =	ssettm $0x1  }
0x93: {  	s5 =	sld [smem:$0x3FFB];
	_ =	sdelay $0x3  }
0x94: {  	_ =	strace s5  }
0x95: {  	s5 =	sld [smem:$0x3FFC];
	_ =	sdelay $0x3  }
0x96: {  	_ =	strace s5  }
0x97: {  	s5 =	sld [smem:$0x3FFD];
	_ =	sdelay $0x3  }
0x98: {  	_ =	strace s5  }
0x99: {  	_ =	strace $0x8FFFFFFF  }
0x9a: {  	s19 =	sld [smem:$0x3FDB];
	_ =	sdelay $0x1  }
0x9b: {  	s6 =	simm.s32 $_scs_section_size  }
0x9c: {  	s7 =	simm.s32 $_size__tile_overlayer_lowered;
	s8 =	simm.s32 $_tile_overlayer_lowered  }
0x9d: {  	s22 =	simm.s32 $0x1BFF;
	s21 =	sshll.u32 s8, $0x1;
	s5 =	sadd.s32 s6, s19  }
0x9e: {  	s9 =	simm.s32 $0x0;
	s20 =	sshll.u32 s7, $0x1;
	s7 =	sadd.s32 s21, s5  }
0x9f: {  	[timem:s9], [sflag:s22] =	dma.local [hbm:s7], s20  }
0xa0: {  	_ =	swait.ge [sflag:s22], s20  }
0xa1: {  	s6 =	ssub.s32 $0x0, s20;
	[sflag:s22] =	ssyncset.done $0x0  }
0xa2: {  	[sflag:s22] =	ssyncadd.s32 s6;
	_ =	sdelay $0x1  }
0xa3: {  	s23 =	simm.s32 $0x1B8B  }
0xa4: {  	_ =	swait.ge [sflag:s23], $0x1  }
0xa5: {  	[sflag:s23] =	ssyncset.done $0x0  }
0xa6: {  	s25 =	simm.s32 $0x1B8E;
	s24 =	sld [smem:$0x3FFE];
	[sflag:s23] =	ssyncadd.s32 $0xFFFFFFFF  }
0xa7: {  	s26 =	simm.s32 $execute0_lowered;
	[smem:$0x3FD2] =	sst s25  }
0xa8: {  	s7 =	sshll.u32 s26, $0x1;
	_ =	strace $0x80000046;
	[dreg:$0x1] =	wrdreg $0xFFFFFFFF  }
0xa9: {  	s28 =	simm.s32 $_size_execute0_lowered;
	s5 =	sadd.s32 s5, s7;
	[dreg:$0x0] =	wrdreg $0x0  }
0xaa: {  	s7 =	sshll.u32 s28, $0x1;
	[dreg:$0x2] =	wrdreg s5  }
0xab: {  	[dreg:$0x3] =	wrdreg s7  }
0xac: {  	[dreg:$0x4] =	wrdreg $0xC0  }
0xad: {  	_ =	task [dreg:s9], $0x5FFFF  }
0xae: {  	[dreg:$0x1] =	wrdreg $0xFFFFFFFF  }
0xaf: {  	[dreg:$0x0] =	wrdreg $0x60  }
0xb0: {  	[dreg:$0x2] =	wrdreg s2  }
0xb1: {  	[dreg:$0x3] =	wrdreg s18  }
0xb2: {  	[dreg:$0x4] =	wrdreg s24  }
0xb3: {  	[dreg:$0x5] =	wrdreg s4  }
0xb4: {  	[dreg:$0x6] =	wrdreg $0x9  }
0xb5: {  	_ =	task.clear_ibuf [dreg:s9], $0x7FFFF;
	_ =	strace $0x90000046  }
0xb6: {  	s29 =	simm.s32 $0x9;
	_ =	strace $0x80000048  }
0xb7: {  	_ =	swait.ge [sflag:s29], $0x1  }
0xb8: {  	[sflag:s29] =	ssyncadd.s32 $0xFFFFFFFF  }
0xb9: {  	_ =	strace $0x90000048  }
0xba: {  	_ =	sfence  }
0xbb: {  	s30 =	sld [smem:$0x0];
	_ =	sdelay $0x2  }
0xbc: {  	s31 =	sshll.u32 s1, $0xD;
	s1 =	sshrl.u32 s1, $0x2  }
0xbd: {  	s3 =	sand.u32 $0x4000, s31;
	s1 =	sadd.s32 s1, s30  }
0xbe: {  	s0 =	sor.u32 s3, s0;
	s1 =	sshll.u32 s1, $0x11  }
0xbf: {  	s0 =	sor.u32 s1, s0  }
0xc0: {  	s0 =	sadd.s32 $0x8F2B, s0  }
0xc1: {  	[sflag:s0] =	ssyncadd.remote.s32 $0x1  }
0xc2: {  	_ =	sfence.sel $0xFFFF  }
0xc3: {  	[dreg:$0x0] =	wrdreg $0xFFFFFFFF;
	(pc) =	sbr.abs _section_cstart, $3  }
0xc4: {  	[dreg:$0x1] =	wrdreg $0xFFFFFFFF  }
0xc5: {  	_ =	task.clear_ibuf [dreg:s9], $0x2FFFF;
	_ =	strace $0x9FFFFFFF  }
0xc6: {  	(tm) =	ssettm $0x7FFFFFFF  }
0xc7: {  	_ =	shalt  }
tec
execute0_lowered:
.L_overlay_start_1:
0x0: {  	(tag) =	ssettag $0x1  }
0x1: {  	v0 =	vlaneseq.u32  }
0x2: {  	v2 =	vmul.u32 $0x20, v0;
	_ =	sdelay $0x1  }
0x3: {  	v1 =	vor.u32 $0x1, v2  }
0x4: {  	[tilespmem:$0x1FC10] =	vst v1;
	v1 =	vor.u32 $0x2, v2  }
0x5: {  	[tilespmem:$0x1FC20] =	vst v1;
	v1 =	vor.u32 $0x3, v2  }
0x6: {  	[tilespmem:$0x1FC30] =	vst v1;
	v1 =	vor.u32 $0x4, v2  }
0x7: {  	[tilespmem:$0x1FC40] =	vst v1;
	v1 =	vor.u32 $0x5, v2  }
0x8: {  	[tilespmem:$0x1FC50] =	vst v1;
	v1 =	vor.u32 $0x6, v2  }
0x9: {  	[tilespmem:$0x1FC60] =	vst v1;
	v1 =	vor.u32 $0x7, v2  }
0xa: {  	[tilespmem:$0x1FC70] =	vst v1;
	v1 =	vor.u32 $0x8, v2  }
0xb: {  	[tilespmem:$0x1FC80] =	vst v1;
	v1 =	vor.u32 $0x9, v2  }
0xc: {  	[tilespmem:$0x1FC90] =	vst v1;
	v1 =	vor.u32 $0xA, v2  }
0xd: {  	[tilespmem:$0x1FCA0] =	vst v1;
	v1 =	vor.u32 $0xB, v2  }
0xe: {  	[tilespmem:$0x1FCB0] =	vst v1;
	v1 =	vor.u32 $0xC, v2  }
0xf: {  	[tilespmem:$0x1FCC0] =	vst v1;
	v1 =	vor.u32 $0xD, v2  }
0x10: {  	s1 =	simm.s32 $0x0;
	[tilespmem:$0x1FCD0] =	vst v1;
	v1 =	vor.u32 $0xE, v2  }
0x11: {  	[smem:$0x7FF] =	sst s1;
	[tilespmem:$0x1FCE0] =	vst v1;
	v1 =	vor.u32 $0xF, v2  }
0x12: {  	s0 =	rddreg [dreg:$0x2];
	v57 =	vmul.u32 $0x640, v0;
	v58 =	vmul.u32 $0x38, v0;
	v0 =	vor.u32 $0x200, v2;
	_ =	strace $0x80000047;
	[tilespmem:$0x1FCF0] =	vst v1  }
0x13: {  	[tilespmem:$0x1FE00] =	vst v0  }
0x14: {  	[tilespmem:$0x1FFD0] =	vst v2  }
0x15: {  	[tilespmem:$0x1FFE0] =	vst v58  }
0x16: {  	v1 =	vor.u32 $0x10, v2;
	[tilespmem:$0x1FFF0] =	vst v57  }
0x17: {  	v0 =	vor.u32 $0x201, v2;
	[tilespmem:$0x1FD00] =	vst v1  }
0x18: {  	v1 =	vor.u32 $0x11, v2;
	[tilespmem:$0x1FE10] =	vst v0  }
0x19: {  	v0 =	vor.u32 $0x202, v2;
	[tilespmem:$0x1FD10] =	vst v1  }
0x1a: {  	v1 =	vor.u32 $0x12, v2;
	[tilespmem:$0x1FE20] =	vst v0  }
0x1b: {  	v0 =	vor.u32 $0x203, v2;
	[tilespmem:$0x1FD20] =	vst v1  }
0x1c: {  	v1 =	vor.u32 $0x13, v2;
	[tilespmem:$0x1FE30] =	vst v0  }
0x1d: {  	v0 =	vor.u32 $0x204, v2;
	[tilespmem:$0x1FD30] =	vst v1  }
0x1e: {  	v1 =	vor.u32 $0x14, v2;
	[tilespmem:$0x1FE40] =	vst v0  }
0x1f: {  	v0 =	vor.u32 $0x205, v2;
	[tilespmem:$0x1FD40] =	vst v1  }
0x20: {  	v1 =	vor.u32 $0x15, v2;
	[tilespmem:$0x1FE50] =	vst v0  }
0x21: {  	v0 =	vor.u32 $0x206, v2;
	[tilespmem:$0x1FD50] =	vst v1  }
0x22: {  	v1 =	vor.u32 $0x16, v2;
	[tilespmem:$0x1FE60] =	vst v0  }
0x23: {  	v0 =	vor.u32 $0x207, v2;
	[tilespmem:$0x1FD60] =	vst v1  }
0x24: {  	v1 =	vor.u32 $0x17, v2;
	[tilespmem:$0x1FE70] =	vst v0  }
0x25: {  	v0 =	vor.u32 $0x208, v2;
	[tilespmem:$0x1FD70] =	vst v1  }
0x26: {  	v1 =	vor.u32 $0x18, v2;
	[tilespmem:$0x1FE80] =	vst v0  }
0x27: {  	v0 =	vor.u32 $0x209, v2;
	[tilespmem:$0x1FD80] =	vst v1  }
0x28: {  	v1 =	vor.u32 $0x19, v2;
	[tilespmem:$0x1FE90] =	vst v0  }
0x29: {  	v0 =	vor.u32 $0x20A, v2;
	[tilespmem:$0x1FD90] =	vst v1  }
0x2a: {  	v1 =	vor.u32 $0x1A, v2;
	[tilespmem:$0x1FEA0] =	vst v0  }
0x2b: {  	v0 =	vor.u32 $0x20B, v2;
	[tilespmem:$0x1FDA0] =	vst v1  }
0x2c: {  	v1 =	vor.u32 $0x1B, v2;
	[tilespmem:$0x1FEB0] =	vst v0  }
0x2d: {  	v0 =	vor.u32 $0x20C, v2;
	[tilespmem:$0x1FDB0] =	vst v1  }
0x2e: {  	v1 =	vor.u32 $0x1C, v2;
	[tilespmem:$0x1FEC0] =	vst v0  }
0x2f: {  	v0 =	vor.u32 $0x20D, v2;
	[tilespmem:$0x1FDC0] =	vst v1  }
0x30: {  	v1 =	vor.u32 $0x1D, v2;
	[tilespmem:$0x1FED0] =	vst v0  }
0x31: {  	v0 =	vor.u32 $0x20E, v2;
	[tilespmem:$0x1FDD0] =	vst v1  }
0x32: {  	v1 =	vor.u32 $0x1E, v2;
	[tilespmem:$0x1FEE0] =	vst v0  }
0x33: {  	v0 =	vor.u32 $0x20F, v2;
	[tilespmem:$0x1FDE0] =	vst v1  }
0x34: {  	v1 =	vor.u32 $0x1F, v2;
	[tilespmem:$0x1FEF0] =	vst v0  }
0x35: {  	v0 =	vor.u32 $0x210, v2;
	[tilespmem:$0x1FDF0] =	vst v1  }
0x36: {  	[tilespmem:$0x1FF00] =	vst v0;
	v0 =	vor.u32 $0x211, v2  }
0x37: {  	s24 =	srdreg.scid;
	s3 =	stileid.u32;
	s10 =	simm.s32 $0x3;
	[tilespmem:$0x1FF10] =	vst v0;
	v0 =	vor.u32 $0x212, v2  }
0x38: {  	s11 =	simm.s32 $0x640;
	s12 =	simm.s32 $0x80;
	s13 =	simm.s32 $0x660;
	[tilespmem:$0x1FF20] =	vst v0;
	v0 =	vor.u32 $0x213, v2  }
0x39: {  	s28 =	simm.s32 $0x400;
	s29 =	simm.s32 $0x8660;
	s30 =	simm.s32 $0x480;
	[tilespmem:$0x1FF30] =	vst v0;
	v0 =	vor.u32 $0x214, v2  }
0x3a: {  	s31 =	simm.s32 $0x9660;
	s6 =	simm.s32 $0xA660;
	s9 =	simm.s32 $0x580;
	[tilespmem:$0x1FF40] =	vst v0;
	v0 =	vor.u32 $0x215, v2  }
0x3b: {  	s4 =	simm.s32 $0xC660;
	s14 =	simm.s32 $0x20;
	s15 =	simm.s32 $0xCE60;
	[tilespmem:$0x1FF50] =	vst v0;
	v0 =	vor.u32 $0x216, v2  }
0x3c: {  	s16 =	simm.s32 $0x1;
	s17 =	simm.s32 $0x2;
	s18 =	simm.s32 $0xD260;
	[tilespmem:$0x1FF60] =	vst v0;
	v0 =	vor.u32 $0x217, v2  }
0x3d: {  	s20 =	simm.s32 $0x0;
	s1 =	sand.u32 $0x1, s24;
	s5 =	sadd.s32 $0xF42800, s0;
	[tilespmem:$0x1FF70] =	vst v0;
	v0 =	vor.u32 $0x218, v2  }
0x3e: {  	s7 =	sadd.s32 $0x1313200, s0;
	s26 =	sshll.u32 s3, $0xA;
	s2 =	ssub.s32 $0x2, s1;
	[tilespmem:$0x1FF80] =	vst v0;
	v0 =	vor.u32 $0x219, v2  }
0x3f: {  	s3 =	simm.s32 $0x600;
	s1 =	sshll.u32 s1, $0x9;
	s25 =	sshrl.u32 s2, $0x1;
	[tilespmem:$0x1FF90] =	vst v0;
	v0 =	vor.u32 $0x21A, v2  }
0x40: {  	s8 =	sor.u32 s1, s26;
	s26 =	simm.s32 $0x7660;
	s0 =	ssub.s32 s2, s25;
	[tilespmem:$0x1FFA0] =	vst v0;
	v0 =	vor.u32 $0x21B, v2  }
0x41: {  	s1 =	simm.s32 $0x40;
	s25 =	simm.s32 $0x380;
	s0 =	smax.u32 s0, $0x1;
	[tilespmem:$0x1FFB0] =	vst v0;
	v0 =	vor.u32 $0x21C, v2  }
0x42: {  	s2 =	simm.s32 $0x500;
	[dreg:$0x5] =	wrdreg s0;
	s0 =	simm.s32 $0xB660;
	[tilespmem:$0x1FFC0] =	vst v0  }
.LBB2_1:
0x43: {  	[dreg:$0x6] =	wrdreg s20;
	s19 =	simm.s32 $0x0  }
.LBB2_2:
0x44: {  	s20 =	sshll.u32 s19, $0x5  }
0x45: {  	s20 =	sadd.s32 s8, s20  }
0x46: {  	s21 =	smul.u32 $0x32, s20;
	_ =	sdelay $0x1  }
0x47: {  	s22 =	rddreg [dreg:$0x1];
	s21 =	sshrl.u32 s21, $0x3  }
0x48: {  	s22 =	sadd.s32 s22, s21;
	s21 =	simm.s32 $0x0  }
0x49: {  	[tilespmem:s21], [sflag:$0x3] =	stream.linear.gather [hbm4b:s22+s21], $0x640, $0x38;
	[tilespmem:$0xD960] =	vst v63  }
0x4a: {  	_ =	swait.ge [sflag:s10], $0x640  }
0x4b: {  	[sflag:s10] =	ssyncset.done $0x0  }
0x4c: {  	[sflag:s10] =	ssyncadd.s32 $0xFFFFF9C0  }
0x4d: {  	s24 =	sshrl.u32 s20, $0x3;
	s23 =	rddreg [dreg:$0x0]  }
0x4e: {  	s22 =	sadd.s32 s23, s24  }
0x4f: {  	[tilespmem:s11], [sflag:$0x3] =	stream.linear.gather [hbm4b:s22+s21], $0x20, $0x38;
	[tilespmem:$0xD960] =	vst v63  }
0x50: {  	_ =	swait.ge [sflag:s10], $0x20  }
0x51: {  	[sflag:s10] =	ssyncset.done $0x0  }
0x52: {  	[sflag:s10] =	ssyncadd.s32 $0xFFFFFFE0  }
0x53: {  	[tilespmem:s13], [sflag:$0x1] =	stream.indirect.gather [hbm4b:s7+s12], $0x20, s21, s12, $0xb8;
	[tilespmem:$0xD960] =	vst v63  }
0x54: {  	s24 =	simm.s32 $0x1660  }
0x55: {  	[tilespmem:s24], [sflag:$0x1] =	stream.indirect.gather [hbm4b:s7+s12], $0x20, s12, s12, $0xb8;
	[tilespmem:$0xD960] =	vst v63  }
0x56: {  	s23 =	simm.s32 $0x100;
	s24 =	simm.s32 $0x2660  }
0x57: {  	[tilespmem:s24], [sflag:$0x1] =	stream.indirect.gather [hbm4b:s7+s12], $0x20, s23, s12, $0xb8;
	[tilespmem:$0xD960] =	vst v63  }
0x58: {  	s23 =	simm.s32 $0x180;
	s24 =	simm.s32 $0x3660  }
0x59: {  	[tilespmem:s24], [sflag:$0x1] =	stream.indirect.gather [hbm4b:s7+s12], $0x20, s23, s12, $0xb8;
	[tilespmem:$0xD960] =	vst v63  }
0x5a: {  	s23 =	simm.s32 $0x200;
	s24 =	simm.s32 $0x4660  }
0x5b: {  	[tilespmem:s24], [sflag:$0x1] =	stream.indirect.gather [hbm4b:s7+s12], $0x20, s23, s12, $0xb8;
	[tilespmem:$0xD960] =	vst v63  }
0x5c: {  	s23 =	simm.s32 $0x280;
	s24 =	simm.s32 $0x5660  }
0x5d: {  	[tilespmem:s24], [sflag:$0x1] =	stream.indirect.gather [hbm4b:s7+s12], $0x20, s23, s12, $0xb8;
	[tilespmem:$0xD960] =	vst v63  }
0x5e: {  	s23 =	simm.s32 $0x300;
	s24 =	simm.s32 $0x6660  }
0x5f: {  	[tilespmem:s24], [sflag:$0x1] =	stream.indirect.gather [hbm4b:s7+s12], $0x20, s23, s12, $0xb8;
	[tilespmem:$0xD960] =	vst v63  }
0x60: {  	_ = 	snop  }
0x61: {  	[tilespmem:s26], [sflag:$0x1] =	stream.indirect.gather [hbm4b:s7+s12], $0x20, s25, s12, $0xb8;
	[tilespmem:$0xD960] =	vst v63  }
0x62: {  	_ = 	snop  }
0x63: {  	[tilespmem:s29], [sflag:$0x1] =	stream.indirect.gather [hbm4b:s7+s12], $0x20, s28, s12, $0xb8;
	[tilespmem:$0xD960] =	vst v63  }
0x64: {  	_ = 	snop  }
0x65: {  	[tilespmem:s31], [sflag:$0x1] =	stream.indirect.gather [hbm4b:s7+s12], $0x20, s30, s12, $0xb8;
	[tilespmem:$0xD960] =	vst v63  }
0x66: {  	_ = 	snop  }
0x67: {  	[tilespmem:s6], [sflag:$0x1] =	stream.indirect.gather [hbm4b:s7+s12], $0x20, s2, s12, $0xb8;
	[tilespmem:$0xD960] =	vst v63  }
0x68: {  	_ = 	snop  }
0x69: {  	[tilespmem:s0], [sflag:$0x1] =	stream.indirect.gather [hbm4b:s7+s12], $0x20, s9, s12, $0xb8;
	[tilespmem:$0xD960] =	vst v63  }
0x6a: {  	_ = 	snop  }
0x6b: {  	[tilespmem:s4], [sflag:$0x1] =	stream.indirect.gather [hbm4b:s7+s1], $0x20, s3, s1, $0xb8;
	[tilespmem:$0xD960] =	vst v63  }
0x6c: {  	_ = 	snop  }
0x6d: {  	[tilespmem:s15], [sflag:$0x2] =	stream.indirect.gather [hbm4b:s5+s14], $0x20, s11, s14, $0xb8;
	[tilespmem:$0xD960] =	vst v63  }
0x6e: {  	_ =	swait.ge [sflag:s16], $0x1000  }
0x6f: {  	[sflag:s16] =	ssyncset.done $0x0  }
0x70: {  	[sflag:s16] =	ssyncadd.s32 $0xFFFFF000  }
0x71: {  	_ =	swait.ge [sflag:s16], $0x1000  }
0x72: {  	[sflag:s16] =	ssyncset.done $0x0  }
0x73: {  	[sflag:s16] =	ssyncadd.s32 $0xFFFFF000  }
0x74: {  	_ =	swait.ge [sflag:s16], $0x1000  }
0x75: {  	[sflag:s16] =	ssyncset.done $0x0  }
0x76: {  	[sflag:s16] =	ssyncadd.s32 $0xFFFFF000  }
0x77: {  	_ =	swait.ge [sflag:s16], $0x1000  }
0x78: {  	[sflag:s16] =	ssyncset.done $0x0  }
0x79: {  	[sflag:s16] =	ssyncadd.s32 $0xFFFFF000  }
0x7a: {  	_ =	swait.ge [sflag:s16], $0x1000  }
0x7b: {  	[sflag:s16] =	ssyncset.done $0x0  }
0x7c: {  	[sflag:s16] =	ssyncadd.s32 $0xFFFFF000  }
0x7d: {  	_ =	swait.ge [sflag:s16], $0x1000  }
0x7e: {  	[sflag:s16] =	ssyncset.done $0x0  }
0x7f: {  	[sflag:s16] =	ssyncadd.s32 $0xFFFFF000  }
0x80: {  	_ =	swait.ge [sflag:s16], $0x1000  }
0x81: {  	[sflag:s16] =	ssyncset.done $0x0  }
0x82: {  	[sflag:s16] =	ssyncadd.s32 $0xFFFFF000  }
0x83: {  	_ =	swait.ge [sflag:s16], $0x1000  }
0x84: {  	[sflag:s16] =	ssyncset.done $0x0  }
0x85: {  	[sflag:s16] =	ssyncadd.s32 $0xFFFFF000  }
0x86: {  	_ =	swait.ge [sflag:s16], $0x1000  }
0x87: {  	[sflag:s16] =	ssyncset.done $0x0  }
0x88: {  	[sflag:s16] =	ssyncadd.s32 $0xFFFFF000  }
0x89: {  	_ =	swait.ge [sflag:s16], $0x1000  }
0x8a: {  	[sflag:s16] =	ssyncset.done $0x0  }
0x8b: {  	[sflag:s16] =	ssyncadd.s32 $0xFFFFF000  }
0x8c: {  	_ =	swait.ge [sflag:s16], $0x1000  }
0x8d: {  	[sflag:s16] =	ssyncset.done $0x0  }
0x8e: {  	[sflag:s16] =	ssyncadd.s32 $0xFFFFF000  }
0x8f: {  	_ =	swait.ge [sflag:s16], $0x1000  }
0x90: {  	[sflag:s16] =	ssyncset.done $0x0  }
0x91: {  	[sflag:s16] =	ssyncadd.s32 $0xFFFFF000  }
0x92: {  	_ =	swait.ge [sflag:s16], $0x800  }
0x93: {  	[sflag:s16] =	ssyncset.done $0x0  }
0x94: {  	[sflag:s16] =	ssyncadd.s32 $0xFFFFF800  }
0x95: {  	_ =	swait.ge [sflag:s17], $0x400  }
0x96: {  	v0 =	vld [tilespmem:$0x1FC10];
	_ =	sdelay $0x5  }
0x97: {  	[sflag:s17] =	ssyncset.done $0x0  }
0x98: {  	[sflag:s17] =	ssyncadd.s32 $0xFFFFFC00  }
0x99: {  	v35 =	vld.idx.msk [tilespmem:v0+s15+$0x0], $0xffff  }
0x9a: {  	v0 =	vld [tilespmem:$0x1FC20];
	_ =	sdelay $0x7  }
0x9b: {  	v34 =	vld.idx.msk [tilespmem:v0+s15+$0x0], $0xffff  }
0x9c: {  	v0 =	vld [tilespmem:$0x1FC30];
	_ =	sdelay $0x7  }
0x9d: {  	v31 =	vld.idx.msk [tilespmem:v0+s15+$0x0], $0xffff  }
0x9e: {  	v0 =	vld [tilespmem:$0x1FC40];
	_ =	sdelay $0x7  }
0x9f: {  	v63 =	vld.idx.msk [tilespmem:v0+s15+$0x0], $0xffff  }
0xa0: {  	v0 =	vld [tilespmem:$0x1FC50];
	_ =	sdelay $0x7  }
0xa1: {  	v29 =	vld.idx.msk [tilespmem:v0+s15+$0x0], $0xffff  }
0xa2: {  	v0 =	vld [tilespmem:$0x1FC60];
	_ =	sdelay $0x7  }
0xa3: {  	v28 =	vld.idx.msk [tilespmem:v0+s15+$0x0], $0xffff  }
0xa4: {  	v0 =	vld [tilespmem:$0x1FC70];
	_ =	sdelay $0x7  }
0xa5: {  	v27 =	vld.idx.msk [tilespmem:v0+s15+$0x0], $0xffff  }
0xa6: {  	v0 =	vld [tilespmem:$0x1FC80];
	_ =	sdelay $0x7  }
0xa7: {  	v26 =	vld.idx.msk [tilespmem:v0+s15+$0x0], $0xffff  }
0xa8: {  	v0 =	vld [tilespmem:$0x1FC90]  }
0xa9: {  	v1 =	vld [tilespmem:$0x1FCA0]  }
0xaa: {  	v36 =	vld.idx.msk [tilespmem:v2+s15+$0x0], $0xffff  }
0xab: {  	v2 =	vld [tilespmem:$0x1FCB0];
	_ =	sdelay $0x4  }
0xac: {  	v25 =	vld.idx.msk [tilespmem:v0+s15+$0x0], $0xffff;
	v0 =	vmov s21  }
0xad: {  	v24 =	vld.idx.msk [tilespmem:v1+s15+$0x0], $0xffff;
	v1 =	vshll.u32 v0, $0x5  }
0xae: {  	v32 =	vadd.s32 v57, v1;
	v1 =	vld [tilespmem:$0x1FCC0]  }
0xaf: {  	v23 =	vld.idx.msk [tilespmem:v2+s15+$0x0], $0xffff  }
0xb0: {  	v2 =	vld [tilespmem:$0x1FCE0];
	_ =	sdelay $0x5  }
0xb1: {  	v22 =	vld.idx.msk [tilespmem:v1+s15+$0x0], $0xffff  }
0xb2: {  	v1 =	vld [tilespmem:$0x1FCD0]  }
0xb3: {  	v20 =	vld.idx.msk [tilespmem:v2+s15+$0x0], $0xffff  }
0xb4: {  	v2 =	vld [tilespmem:$0x1FCF0];
	_ =	sdelay $0x1  }
0xb5: {  	v4 =	vld [tilespmem:$0x1FD00];
	_ =	sdelay $0x1  }
0xb6: {  	v6 =	vld [tilespmem:$0x1FD20]  }
0xb7: {  	v7 =	vld [tilespmem:$0x1FD30]  }
0xb8: {  	v21 =	vld.idx.msk [tilespmem:v1+s15+$0x0], $0xffff;
	v1 =	vor.u32 $0x1, v32  }
0xb9: {  	v5 =	vld [tilespmem:$0x1FD10]  }
0xba: {  	v19 =	vld.idx.msk [tilespmem:v2+s15+$0x0], $0xffff;
	v2 =	vor.u32 $0x2, v32  }
0xbb: {  	v3 =	vld.idx.msk [tilespmem:v32+s13+$0x0], $0xffff  }
0xbc: {  	v18 =	vld.idx.msk [tilespmem:v4+s15+$0x0], $0xffff;
	v4 =	vor.u32 $0x3, v32  }
0xbd: {  	v1 =	vld.idx.msk [tilespmem:v1+s13+$0x0], $0xffff  }
0xbe: {  	v15 =	vld.idx.msk [tilespmem:v6+s15+$0x0], $0xffff  }
0xbf: {  	v6 =	vor.u32 $0x5, v32;
	v2 =	vld.idx.msk [tilespmem:v2+s13+$0x0], $0xffff  }
0xc0: {  	v14 =	vld.idx.msk [tilespmem:v7+s15+$0x0], $0xffff;
	v3 =	vmul.f32 v3, v36  }
0xc1: {  	v7 =	vor.u32 $0x6, v32;
	v4 =	vld.idx.msk [tilespmem:v4+s13+$0x0], $0xffff  }
0xc2: {  	v8 =	vld [tilespmem:$0x1FD40];
	v3 =	vadd.f32 $0.0e+00, v3;
	v1 =	vmul.f32 v1, v35  }
0xc3: {  	v17 =	vld.idx.msk [tilespmem:v5+s15+$0x0], $0xffff  }
0xc4: {  	v2 =	vmul.f32 v2, v34;
	v1 =	vadd.f32 v1, v3;
	v3 =	vld.idx.msk [tilespmem:v6+s13+$0x0], $0xffff  }
0xc5: {  	v6 =	vld [tilespmem:$0x1FD50]  }
0xc6: {  	v5 =	vor.u32 $0x4, v32;
	v1 =	vadd.f32 v2, v1;
	v2 =	vmul.f32 v4, v31;
	v4 =	vld.idx.msk [tilespmem:v7+s13+$0x0], $0xffff  }
0xc7: {  	v7 =	vld [tilespmem:$0x1FD60];
	_ =	sdelay $0x1  }
0xc8: {  	v16 =	vor.u32 $0xA, v32  }
0xc9: {  	v13 =	vld.idx.msk [tilespmem:v8+s15+$0x0], $0xffff  }
0xca: {  	v8 =	vor.u32 $0x7, v32;
	v5 =	vld.idx.msk [tilespmem:v5+s13+$0x0], $0xffff;
	_ =	sdelay $0x1  }
0xcb: {  	v12 =	vld.idx.msk [tilespmem:v6+s15+$0x0], $0xffff;
	v6 =	vor.u32 $0x8, v32  }
0xcc: {  	v16 =	vld.idx.msk [tilespmem:v16+s13+$0x0], $0xffff  }
0xcd: {  	v11 =	vld.idx.msk [tilespmem:v7+s15+$0x0], $0xffff;
	v7 =	vor.u32 $0x9, v32  }
0xce: {  	v1 =	vadd.f32 v2, v1;
	v2 =	vmul.f32 v5, v63;
	v5 =	vld.idx.msk [tilespmem:v8+s13+$0x0], $0xffff  }
0xcf: {  	v8 =	vld [tilespmem:$0x1FD70]  }
0xd0: {  	v30 =	vor.u32 $0xC, v32;
	v1 =	vadd.f32 v2, v1;
	v2 =	vmul.f32 v3, v29;
	v3 =	vld.idx.msk [tilespmem:v6+s13+$0x0], $0xffff  }
0xd1: {  	v33 =	vor.u32 $0xD, v32;
	v6 =	vld [tilespmem:$0x1FD80]  }
0xd2: {  	v37 =	vor.u32 $0xE, v32;
	v1 =	vadd.f32 v2, v1;
	v2 =	vmul.f32 v4, v28;
	v4 =	vld.idx.msk [tilespmem:v7+s13+$0x0], $0xffff  }
0xd3: {  	v7 =	vld [tilespmem:$0x1FD90]  }
0xd4: {  	v1 =	vadd.f32 v2, v1;
	v2 =	vmul.f32 v5, v27;
	v5 =	vld [tilespmem:$0x1FDA0]  }
0xd5: {  	v30 =	vld.idx.msk [tilespmem:v30+s13+$0x0], $0xffff  }
0xd6: {  	v33 =	vld.idx.msk [tilespmem:v33+s13+$0x0], $0xffff;
	v1 =	vadd.f32 v2, v1;
	v2 =	vmul.f32 v3, v26  }
0xd7: {  	v37 =	vld.idx.msk [tilespmem:v37+s13+$0x0], $0xffff  }
0xd8: {  	v10 =	vld.idx.msk [tilespmem:v8+s15+$0x0], $0xffff;
	v2 =	vadd.f32 v2, v1;
	v4 =	vmul.f32 v4, v25  }
0xd9: {  	v9 =	vld.idx.msk [tilespmem:v6+s15+$0x0], $0xffff;
	v6 =	vor.u32 $0xB, v32  }
0xda: {  	v38 =	vor.u32 $0xF, v32;
	v4 =	vadd.f32 v4, v2;
	v2 =	vld [tilespmem:$0x1FDD0]  }
0xdb: {  	v40 =	vor.u32 $0x10, v32;
	v8 =	vld.idx.msk [tilespmem:v7+s15+$0x0], $0xffff  }
0xdc: {  	s23 =	simm.s32 $0x1;
	v50 =	vor.u32 $0x11, v32;
	v7 =	vld.idx.msk [tilespmem:v5+s15+$0x0], $0xffff  }
0xdd: {  	v43 =	vor.u32 $0x12, v32;
	v16 =	vmul.f32 v16, v24;
	v1 =	vmov s23;
	v5 =	vld [tilespmem:$0x1FDB0]  }
0xde: {  	v44 =	vor.u32 $0x13, v32;
	v39 =	vshll.u32 v1, $0x5;
	v3 =	vld.idx.msk [tilespmem:v6+s13+$0x0], $0xffff  }
0xdf: {  	v38 =	vld.idx.msk [tilespmem:v38+s13+$0x0], $0xffff;
	v4 =	vadd.f32 v16, v4;
	v16 =	vadd.s32 v57, v39  }
0xe0: {  	v40 =	vld.idx.msk [tilespmem:v40+s13+$0x0], $0xffff  }
0xe1: {  	v56 =	vld.idx.msk [tilespmem:v50+s13+$0x0], $0xffff  }
0xe2: {  	v53 =	vld.idx.msk [tilespmem:v43+s13+$0x0], $0xffff  }
0xe3: {  	v60 =	vld.idx.msk [tilespmem:v44+s13+$0x0], $0xffff;
	v42 =	vor.u32 $0x1, v16;
	v41 =	vmul.f32 v3, v23  }
0xe4: {  	v45 =	vld.idx.msk [tilespmem:v16+s13+$0x0], $0xffff  }
0xe5: {  	v30 =	vmul.f32 v30, v22;
	v62 =	vor.u32 $0x3, v16;
	v2 =	vld.idx.msk [tilespmem:v2+s15+$0x0], $0xffff;
	v41 =	vadd.f32 v41, v4  }
0xe6: {  	v54 =	vor.u32 $0x4, v16;
	v6 =	vld.idx.msk [tilespmem:v5+s15+$0x0], $0xffff  }
0xe7: {  	v33 =	vmul.f32 v33, v21;
	v61 =	vor.u32 $0x5, v16;
	v5 =	vld [tilespmem:$0x1FDC0];
	v30 =	vadd.f32 v30, v41  }
0xe8: {  	v51 =	vor.u32 $0x2, v16;
	v42 =	vld.idx.msk [tilespmem:v42+s13+$0x0], $0xffff  }
0xe9: {  	v55 =	vmul.f32 v37, v20;
	v3 =	vld [tilespmem:$0x1FDE0];
	v30 =	vadd.f32 v33, v30  }
0xea: {  	v39 =	vld.idx.msk [tilespmem:v62+s13+$0x0], $0xffff  }
0xeb: {  	v46 =	vor.u32 $0x14, v32;
	v52 =	vmul.f32 v38, v19;
	v43 =	vld.idx.msk [tilespmem:v54+s13+$0x0], $0xffff;
	v30 =	vadd.f32 v55, v30  }
0xec: {  	v44 =	vld.idx.msk [tilespmem:v61+s13+$0x0], $0xffff  }
0xed: {  	v47 =	vor.u32 $0x15, v32;
	v59 =	vmul.f32 v40, v18;
	v41 =	vld.idx.msk [tilespmem:v51+s13+$0x0], $0xffff;
	v30 =	vadd.f32 v52, v30  }
0xee: {  	v48 =	vor.u32 $0x16, v32;
	v62 =	vor.u32 $0x6, v16;
	v4 =	vld [tilespmem:$0x1FDF0];
	v45 =	vmul.f32 v45, v36  }
0xef: {  	v38 =	vmul.f32 v53, v15;
	v5 =	vld.idx.msk [tilespmem:v5+s15+$0x0], $0xffff;
	v55 =	vmul.f32 v56, v17;
	v30 =	vadd.f32 v59, v30  }
0xf0: {  	v53 =	vor.u32 $0x7, v16;
	v42 =	vmul.f32 v42, v35;
	v45 =	vadd.f32 $0.0e+00, v45;
	v56 =	vld.idx.msk [tilespmem:v46+s13+$0x0], $0xffff  }
0xf1: {  	v49 =	vor.u32 $0x17, v32;
	v3 =	vld.idx.msk [tilespmem:v3+s15+$0x0], $0xffff;
	v30 =	vadd.f32 v55, v30  }
0xf2: {  	v61 =	vor.u32 $0x8, v16;
	v42 =	vadd.f32 v42, v45;
	v41 =	vmul.f32 v41, v34;
	v52 =	vld.idx.msk [tilespmem:v47+s13+$0x0], $0xffff  }
0xf3: {  	v40 =	vmul.f32 v60, v14;
	v54 =	vor.u32 $0x18, v32;
	v46 =	vld.idx.msk [tilespmem:v62+s13+$0x0], $0xffff;
	v30 =	vadd.f32 v38, v30  }
0xf4: {  	v60 =	vor.u32 $0x19, v32;
	v39 =	vmul.f32 v39, v31;
	v41 =	vadd.f32 v41, v42;
	v59 =	vld.idx.msk [tilespmem:v48+s13+$0x0], $0xffff  }
0xf5: {  	v47 =	vld.idx.msk [tilespmem:v53+s13+$0x0], $0xffff;
	v53 =	vor.u32 $0x1B, v32;
	v37 =	vmul.f32 v56, v13;
	v30 =	vadd.f32 v40, v30  }
0xf6: {  	v62 =	vor.u32 $0x1A, v32;
	v39 =	vadd.f32 v39, v41;
	v55 =	vmul.f32 v43, v63;
	v40 =	vld.idx.msk [tilespmem:v49+s13+$0x0], $0xffff  }
0xf7: {  	v42 =	vld.idx.msk [tilespmem:v61+s13+$0x0], $0xffff;
	v56 =	vor.u32 $0x9, v16;
	v33 =	vmul.f32 v52, v12;
	v30 =	vadd.f32 v37, v30  }
0xf8: {  	v52 =	vld.idx.msk [tilespmem:v54+s13+$0x0], $0xffff;
	v54 =	vmul.f32 v44, v29;
	v39 =	vadd.f32 v55, v39  }
0xf9: {  	v48 =	vld.idx.msk [tilespmem:v60+s13+$0x0], $0xffff;
	v55 =	vor.u32 $0xA, v16;
	v38 =	vmul.f32 v59, v11;
	v30 =	vadd.f32 v33, v30  }
0xfa: {  	v60 =	vmul.f32 v46, v28;
	v45 =	vld.idx.msk [tilespmem:v53+s13+$0x0], $0xffff;
	v59 =	vor.u32 $0x1C, v32;
	v39 =	vadd.f32 v54, v39  }
0xfb: {  	v61 =	vor.u32 $0xB, v16;
	v49 =	vld.idx.msk [tilespmem:v62+s13+$0x0], $0xffff;
	v40 =	vmul.f32 v40, v10;
	v30 =	vadd.f32 v38, v30  }
0xfc: {  	v62 =	vor.u32 $0x1D, v32;
	v43 =	vld.idx.msk [tilespmem:v56+s13+$0x0], $0xffff;
	v56 =	vmul.f32 v47, v27;
	v39 =	vadd.f32 v60, v39  }
0xfd: {  	v4 =	vld.idx.msk [tilespmem:v4+s15+$0x0], $0xffff;
	v47 =	vor.u32 $0xC, v16;
	v37 =	vmul.f32 v52, v9;
	v40 =	vadd.f32 v40, v30  }
0xfe: {  	v41 =	vor.u32 $0x1E, v32;
	v53 =	vor.u32 $0x1F, v32;
	v50 =	vld.idx.msk [tilespmem:v55+s13+$0x0], $0xffff;
	v39 =	vadd.f32 v56, v39  }
0xff: {  	v51 =	vld.idx.msk [tilespmem:v59+s13+$0x0], $0xffff;
	v59 =	vmul.f32 v42, v26;
	v37 =	vadd.f32 v37, v40;
	v40 =	vor.u32 $0xD, v16  }
0x100: {  	v44 =	vor.u32 $0xE, v16;
	v52 =	vand.u32 $0x3F, v0;
	v60 =	vmul.f32 v48, v8;
	v42 =	vld.idx.msk [tilespmem:v61+s13+$0x0], $0xffff  }
0x101: {  	v46 =	vmul.f32 v45, v6;
	v0 =	vld.idx.msk [tilespmem:v62+s13+$0x0], $0xffff;
	v61 =	vmul.f32 v43, v25;
	v33 =	vadd.f32 v59, v39  }
0x102: {  	s24 =	simm.s32 $0x2;
	v45 =	vor.u32 $0x10, v16;
	v62 =	vmul.f32 v49, v7;
	v32 =	vld.idx.msk [tilespmem:v47+s13+$0x0], $0xffff;
	v37 =	vadd.f32 v60, v37  }
0x103: {  	v43 =	vor.u32 $0xF, v16;
	v39 =	vld.idx.msk [tilespmem:v41+s13+$0x0], $0xffff;
	v30 =	vmov s24;
	v47 =	vadd.f32 v61, v33  }
0x104: {  	v49 =	vmul.f32 v50, v24;
	v54 =	vshll.u32 v30, $0x5;
	v48 =	vadd.f32 v62, v37;
	v33 =	vld.idx.msk [tilespmem:v40+s13+$0x0], $0xffff  }
0x105: {  	s21 =	simm.s32 $0x3;
	v38 =	vadd.s32 v58, v52;
	v41 =	vmul.f32 v51, v5;
	v37 =	vadd.s32 v57, v54;
	v40 =	vld.idx.msk [tilespmem:v53+s13+$0x0], $0xffff  }
.LBB2_3:
0x106: {  	p0 =	sne.s32 s21, $0x31;
	v47 =	vadd.f32 v49, v47;
	v42 =	vmul.f32 v42, v23;
	v44 =	vld.idx.msk [tilespmem:v44+s13+$0x0], $0xffff;
	v46 =	vadd.f32 v46, v48  }
0x107: {  	v48 =	vor.u32 $0x11, v16;
	v49 =	vor.u32 $0x12, v16;
	v0 =	vmul.f32 v0, v2  }
0x108: {  	v32 =	vmul.f32 v32, v22;
	v42 =	vadd.f32 v42, v47;
	v43 =	vld.idx.msk [tilespmem:v43+s13+$0x0], $0xffff;
	v41 =	vadd.f32 v41, v46  }
0x109: {  	v46 =	vor.u32 $0x1, v37;
	v47 =	vor.u32 $0x13, v16;
	v39 =	vmul.f32 v39, v3  }
0x10a: {  	v33 =	vmul.f32 v33, v21;
	v32 =	vadd.f32 v32, v42;
	v42 =	vld.idx.msk [tilespmem:v45+s13+$0x0], $0xffff;
	v0 =	vadd.f32 v0, v41  }
0x10b: {  	v50 =	vor.u32 $0x14, v16;
	v45 =	vor.u32 $0x2, v37;
	v40 =	vmul.f32 v40, v4;
	v41 =	vld.idx.msk [tilespmem:v37+s13+$0x0], $0xffff  }
0x10c: {  	v32 =	vadd.f32 v33, v32;
	v33 =	vmul.f32 v44, v20;
	v44 =	vld.idx.msk [tilespmem:v48+s13+$0x0], $0xffff;
	v0 =	vadd.f32 v39, v0  }
0x10d: {  	v39 =	vor.u32 $0x3, v37;
	v48 =	vld.idx.msk [tilespmem:v49+s13+$0x0], $0xffff;
	v49 =	vor.u32 $0x15, v16  }
0x10e: {  	v46 =	vld.idx.msk [tilespmem:v46+s13+$0x0], $0xffff;
	v32 =	vadd.f32 v33, v32;
	v33 =	vmul.f32 v43, v19;
	v0 =	vadd.f32 v40, v0  }
0x10f: {  	v40 =	vor.u32 $0x4, v37;
	v43 =	vld.idx.msk [tilespmem:v47+s13+$0x0], $0xffff;
	v47 =	vor.u32 $0x16, v16  }
0x110: {  	v51 =	vmov s21;
	v45 =	vld.idx.msk [tilespmem:v45+s13+$0x0], $0xffff;
	v32 =	vadd.f32 v33, v32;
	v33 =	vmul.f32 v42, v18;
	[tilespmem:v38+s18+$0x0] =	vst.idx.msk $0xffff, v0  }
0x111: {  	v0 =	vor.u32 $0x5, v37;
	v42 =	vor.u32 $0x17, v16;
	v38 =	vld.idx.msk [tilespmem:v50+s13+$0x0], $0xffff;
	v50 =	vand.u32 $0x3F, v1;
	v1 =	vmovc v30;
	v30 =	vmovc v51  }
0x112: {  	v41 =	vmul.f32 v41, v36;
	v39 =	vld.idx.msk [tilespmem:v39+s13+$0x0], $0xffff;
	v32 =	vadd.f32 v33, v32;
	v33 =	vmul.f32 v44, v17  }
0x113: {  	v51 =	vor.u32 $0x18, v16;
	v44 =	vor.u32 $0x6, v37;
	v48 =	vmul.f32 v48, v15;
	v49 =	vld.idx.msk [tilespmem:v49+s13+$0x0], $0xffff  }
0x114: {  	v41 =	vadd.f32 $0.0e+00, v41;
	v46 =	vmul.f32 v46, v35;
	v40 =	vld.idx.msk [tilespmem:v40+s13+$0x0], $0xffff;
	v32 =	vadd.f32 v33, v32  }
0x115: {  	v52 =	vor.u32 $0x19, v16;
	v33 =	vor.u32 $0x7, v37;
	v43 =	vmul.f32 v43, v14;
	v47 =	vld.idx.msk [tilespmem:v47+s13+$0x0], $0xffff  }
0x116: {  	v41 =	vadd.f32 v46, v41;
	v45 =	vmul.f32 v45, v34;
	v0 =	vld.idx.msk [tilespmem:v0+s13+$0x0], $0xffff;
	v32 =	vadd.f32 v48, v32  }
0x117: {  	v46 =	vor.u32 $0x8, v37;
	v38 =	vmul.f32 v38, v13;
	v48 =	vor.u32 $0x1A, v16;
	v42 =	vld.idx.msk [tilespmem:v42+s13+$0x0], $0xffff  }
0x118: {  	v41 =	vadd.f32 v45, v41;
	v39 =	vmul.f32 v39, v31;
	v44 =	vld.idx.msk [tilespmem:v44+s13+$0x0], $0xffff;
	v32 =	vadd.f32 v43, v32  }
0x119: {  	v43 =	vor.u32 $0x9, v37;
	v45 =	vmul.f32 v49, v12;
	v49 =	vld.idx.msk [tilespmem:v51+s13+$0x0], $0xffff;
	v51 =	vor.u32 $0x1B, v16  }
0x11a: {  	v39 =	vadd.f32 v39, v41;
	v40 =	vmul.f32 v40, v63;
	v33 =	vld.idx.msk [tilespmem:v33+s13+$0x0], $0xffff;
	v32 =	vadd.f32 v38, v32  }
0x11b: {  	v38 =	vor.u32 $0xA, v37;
	v41 =	vmul.f32 v47, v11;
	v47 =	vld.idx.msk [tilespmem:v52+s13+$0x0], $0xffff;
	v52 =	vor.u32 $0x1C, v16  }
0x11c: {  	v39 =	vadd.f32 v40, v39;
	v0 =	vmul.f32 v0, v29;
	v40 =	vld.idx.msk [tilespmem:v46+s13+$0x0], $0xffff;
	v32 =	vadd.f32 v45, v32  }
0x11d: {  	v45 =	vor.u32 $0xB, v37;
	v42 =	vmul.f32 v42, v10;
	v46 =	vld.idx.msk [tilespmem:v48+s13+$0x0], $0xffff;
	v48 =	vor.u32 $0x1D, v16  }
0x11e: {  	v0 =	vadd.f32 v0, v39;
	v39 =	vmul.f32 v44, v28;
	v43 =	vld.idx.msk [tilespmem:v43+s13+$0x0], $0xffff;
	v32 =	vadd.f32 v41, v32  }
0x11f: {  	v41 =	vor.u32 $0xC, v37;
	v44 =	vmul.f32 v49, v9;
	v49 =	vld.idx.msk [tilespmem:v51+s13+$0x0], $0xffff;
	v51 =	vor.u32 $0x1E, v16  }
0x120: {  	v0 =	vadd.f32 v39, v0;
	v33 =	vmul.f32 v33, v27;
	v53 =	vld.idx.msk [tilespmem:v38+s13+$0x0], $0xffff;
	v32 =	vadd.f32 v42, v32  }
0x121: {  	v54 =	vor.u32 $0xD, v37;
	v55 =	vor.u32 $0x1F, v16;
	v16 =	vmovc v37;
	v38 =	vmul.f32 v47, v8;
	v52 =	vld.idx.msk [tilespmem:v52+s13+$0x0], $0xffff  }
0x122: {  	v33 =	vadd.f32 v33, v0;
	v37 =	vmul.f32 v40, v26;
	v42 =	vld.idx.msk [tilespmem:v45+s13+$0x0], $0xffff;
	v39 =	vadd.f32 v44, v32  }
.Ltmp0:
0x123: {  	v40 =	vshll.u32 v30, $0x5;
	v44 =	vor.u32 $0xE, v16;
	v45 =	vmul.f32 v46, v7;
	v0 =	vld.idx.msk [tilespmem:v48+s13+$0x0], $0xffff;
	(pc) =	sbr.rel @p0 .LBB2_3-.Ltmp0, $4  }
0x124: {  	v33 =	vadd.f32 v37, v33;
	v37 =	vmul.f32 v43, v25;
	v32 =	vld.idx.msk [tilespmem:v41+s13+$0x0], $0xffff;
	v41 =	vadd.f32 v38, v39  }
0x125: {  	v43 =	vor.u32 $0xF, v16;
	v46 =	vmul.f32 v49, v6;
	v38 =	vadd.s32 v58, v50;
	v39 =	vld.idx.msk [tilespmem:v51+s13+$0x0], $0xffff  }
0x126: {  	v47 =	vadd.f32 v37, v33;
	v49 =	vmul.f32 v53, v24;
	v33 =	vld.idx.msk [tilespmem:v54+s13+$0x0], $0xffff;
	v48 =	vadd.f32 v45, v41  }
0x127: {  	s21 =	sadd.s32 $0x1, s21;
	v37 =	vadd.s32 v57, v40;
	v45 =	vor.u32 $0x10, v16;
	v41 =	vmul.f32 v52, v5;
	v40 =	vld.idx.msk [tilespmem:v55+s13+$0x0], $0xffff  }
0x128: {  	_ = 	snop  }
0x129: {  	v50 =	vor.u32 $0x1, v37;
	_ =	sdelay $0x1  }
0x12a: {  	v51 =	vor.u32 $0x2, v37  }
0x12b: {  	v52 =	vld.idx.msk [tilespmem:v37+s13+$0x0], $0xffff  }
0x12c: {  	v53 =	vor.u32 $0x3, v37  }
0x12d: {  	v50 =	vld.idx.msk [tilespmem:v50+s13+$0x0], $0xffff  }
0x12e: {  	v54 =	vor.u32 $0x4, v37  }
0x12f: {  	v51 =	vld.idx.msk [tilespmem:v51+s13+$0x0], $0xffff  }
0x130: {  	v55 =	vor.u32 $0x5, v37;
	v36 =	vmul.f32 v52, v36  }
0x131: {  	v52 =	vld.idx.msk [tilespmem:v53+s13+$0x0], $0xffff  }
0x132: {  	v62 =	vor.u32 $0x6, v37;
	v36 =	vadd.f32 $0.0e+00, v36;
	v35 =	vmul.f32 v50, v35  }
0x133: {  	v50 =	vld.idx.msk [tilespmem:v54+s13+$0x0], $0xffff  }
0x134: {  	v59 =	vor.u32 $0x7, v37;
	v34 =	vmul.f32 v51, v34;
	v35 =	vadd.f32 v35, v36  }
0x135: {  	v60 =	vld.idx.msk [tilespmem:v55+s13+$0x0], $0xffff  }
0x136: {  	v61 =	vor.u32 $0x8, v37;
	v31 =	vmul.f32 v52, v31;
	v34 =	vadd.f32 v34, v35  }
0x137: {  	v35 =	vld.idx.msk [tilespmem:v62+s13+$0x0], $0xffff  }
0x138: {  	v62 =	vor.u32 $0x9, v37;
	v63 =	vmul.f32 v50, v63;
	v31 =	vadd.f32 v31, v34  }
0x139: {  	v56 =	vld.idx.msk [tilespmem:v59+s13+$0x0], $0xffff  }
0x13a: {  	v59 =	vor.u32 $0xA, v37;
	v29 =	vmul.f32 v60, v29;
	v31 =	vadd.f32 v63, v31  }
0x13b: {  	v60 =	vld.idx.msk [tilespmem:v61+s13+$0x0], $0xffff  }
0x13c: {  	v61 =	vor.u32 $0xB, v37;
	v28 =	vmul.f32 v35, v28;
	v29 =	vadd.f32 v29, v31  }
0x13d: {  	v31 =	vld.idx.msk [tilespmem:v62+s13+$0x0], $0xffff  }
0x13e: {  	v27 =	vmul.f32 v56, v27;
	v62 =	vor.u32 $0xC, v37;
	v28 =	vadd.f32 v28, v29  }
0x13f: {  	v29 =	vld.idx.msk [tilespmem:v59+s13+$0x0], $0xffff  }
0x140: {  	v26 =	vmul.f32 v60, v26;
	v63 =	vor.u32 $0xD, v37;
	v27 =	vadd.f32 v27, v28  }
0x141: {  	v28 =	vld.idx.msk [tilespmem:v61+s13+$0x0], $0xffff  }
0x142: {  	v51 =	vor.u32 $0xE, v37;
	v25 =	vmul.f32 v31, v25;
	v26 =	vadd.f32 v26, v27  }
0x143: {  	v0 =	vmul.f32 v0, v2;
	v31 =	vld.idx.msk [tilespmem:v62+s13+$0x0], $0xffff  }
0x144: {  	v53 =	vor.u32 $0xF, v37;
	v24 =	vmul.f32 v29, v24;
	v25 =	vadd.f32 v25, v26  }
0x145: {  	v55 =	vor.u32 $0x11, v16;
	v52 =	vadd.f32 v49, v47;
	v54 =	vmul.f32 v42, v23;
	v56 =	vld.idx.msk [tilespmem:v63+s13+$0x0], $0xffff  }
0x146: {  	v44 =	vld.idx.msk [tilespmem:v44+s13+$0x0], $0xffff;
	v59 =	vor.u32 $0x10, v37;
	v60 =	vmul.f32 v28, v23;
	v24 =	vadd.f32 v24, v25  }
0x147: {  	v63 =	vor.u32 $0x11, v37;
	v61 =	vmul.f32 v32, v22;
	v26 =	vadd.f32 v54, v52;
	v28 =	vld.idx.msk [tilespmem:v51+s13+$0x0], $0xffff  }
0x148: {  	v62 =	vld.idx.msk [tilespmem:v43+s13+$0x0], $0xffff;
	v29 =	vadd.f32 v46, v48;
	v43 =	vmul.f32 v31, v22;
	v23 =	vadd.f32 v60, v24  }
0x149: {  	v49 =	vld.idx.msk [tilespmem:v53+s13+$0x0], $0xffff;
	v48 =	vmul.f32 v33, v21;
	v25 =	vor.u32 $0x12, v16;
	v47 =	vadd.f32 v61, v26  }
0x14a: {  	v50 =	vor.u32 $0x12, v37;
	v51 =	vmul.f32 v56, v21;
	v31 =	vld.idx.msk [tilespmem:v45+s13+$0x0], $0xffff;
	v22 =	vadd.f32 v43, v23  }
0x14b: {  	v53 =	vmul.f32 v44, v20;
	v52 =	vor.u32 $0x13, v16;
	v54 =	vld.idx.msk [tilespmem:v59+s13+$0x0], $0xffff;
	v24 =	vadd.f32 v48, v47  }
0x14c: {  	v36 =	vld.idx.msk [tilespmem:v55+s13+$0x0], $0xffff;
	v55 =	vor.u32 $0x13, v37;
	v56 =	vmul.f32 v28, v20;
	v21 =	vadd.f32 v51, v22  }
0x14d: {  	v59 =	vor.u32 $0x14, v16;
	v60 =	vmul.f32 v62, v19;
	v24 =	vadd.f32 v53, v24;
	v28 =	vld.idx.msk [tilespmem:v63+s13+$0x0], $0xffff  }
0x14e: {  	v61 =	vor.u32 $0x14, v37;
	v62 =	vmul.f32 v49, v19;
	v25 =	vld.idx.msk [tilespmem:v25+s13+$0x0], $0xffff;
	v20 =	vadd.f32 v56, v21  }
0x14f: {  	v63 =	vor.u32 $0x15, v16;
	v43 =	vld.idx.msk [tilespmem:v50+s13+$0x0], $0xffff;
	v34 =	vmul.f32 v31, v18;
	v24 =	vadd.f32 v60, v24  }
0x150: {  	v44 =	vmul.f32 v54, v18;
	v23 =	vld.idx.msk [tilespmem:v52+s13+$0x0], $0xffff;
	v31 =	vor.u32 $0x15, v37;
	v19 =	vadd.f32 v62, v20  }
0x151: {  	v46 =	vmul.f32 v36, v17;
	v45 =	vor.u32 $0x16, v16;
	v47 =	vld.idx.msk [tilespmem:v55+s13+$0x0], $0xffff;
	v24 =	vadd.f32 v34, v24  }
0x152: {  	v48 =	vor.u32 $0x16, v37;
	v22 =	vld.idx.msk [tilespmem:v59+s13+$0x0], $0xffff;
	v49 =	vmul.f32 v28, v17;
	v18 =	vadd.f32 v44, v19  }
0x153: {  	v50 =	vor.u32 $0x17, v16;
	v51 =	vld.idx.msk [tilespmem:v61+s13+$0x0], $0xffff;
	v25 =	vmul.f32 v25, v15;
	v24 =	vadd.f32 v46, v24  }
0x154: {  	v21 =	vld.idx.msk [tilespmem:v63+s13+$0x0], $0xffff;
	v28 =	vor.u32 $0x17, v37;
	v15 =	vmul.f32 v43, v15;
	v17 =	vadd.f32 v49, v18  }
0x155: {  	v52 =	vor.u32 $0x18, v16;
	v23 =	vmul.f32 v23, v14;
	v53 =	vld.idx.msk [tilespmem:v31+s13+$0x0], $0xffff;
	v24 =	vadd.f32 v25, v24  }
0x156: {  	v54 =	vor.u32 $0x18, v37;
	v14 =	vmul.f32 v47, v14;
	v20 =	vld.idx.msk [tilespmem:v45+s13+$0x0], $0xffff;
	v15 =	vadd.f32 v15, v17  }
0x157: {  	v55 =	vor.u32 $0x19, v16;
	v56 =	vld.idx.msk [tilespmem:v48+s13+$0x0], $0xffff;
	v22 =	vmul.f32 v22, v13;
	v23 =	vadd.f32 v23, v24  }
0x158: {  	v31 =	vor.u32 $0x19, v37;
	v13 =	vmul.f32 v51, v13;
	v19 =	vld.idx.msk [tilespmem:v50+s13+$0x0], $0xffff;
	v14 =	vadd.f32 v14, v15  }
0x159: {  	v21 =	vmul.f32 v21, v12;
	v59 =	vld.idx.msk [tilespmem:v28+s13+$0x0], $0xffff;
	v22 =	vadd.f32 v22, v23;
	v15 =	vor.u32 $0x1A, v16  }
0x15a: {  	v60 =	vor.u32 $0x1A, v37;
	v18 =	vld.idx.msk [tilespmem:v52+s13+$0x0], $0xffff;
	v12 =	vmul.f32 v53, v12;
	v13 =	vadd.f32 v13, v14  }
0x15b: {  	v61 =	vld.idx.msk [tilespmem:v54+s13+$0x0], $0xffff;
	v20 =	vmul.f32 v20, v11;
	v21 =	vadd.f32 v21, v22;
	v14 =	vor.u32 $0x1B, v16  }
0x15c: {  	v62 =	vor.u32 $0x1B, v37;
	v11 =	vmul.f32 v56, v11;
	v17 =	vld.idx.msk [tilespmem:v55+s13+$0x0], $0xffff;
	v12 =	vadd.f32 v12, v13  }
0x15d: {  	v63 =	vld.idx.msk [tilespmem:v31+s13+$0x0], $0xffff;
	v19 =	vmul.f32 v19, v10;
	v20 =	vadd.f32 v20, v21;
	v13 =	vor.u32 $0x1C, v16  }
0x15e: {  	v32 =	vor.u32 $0x1C, v37;
	v10 =	vmul.f32 v59, v10;
	v15 =	vld.idx.msk [tilespmem:v15+s13+$0x0], $0xffff;
	v11 =	vadd.f32 v11, v12  }
0x15f: {  	v33 =	vld.idx.msk [tilespmem:v60+s13+$0x0], $0xffff;
	v18 =	vmul.f32 v18, v9;
	v19 =	vadd.f32 v19, v20;
	v12 =	vor.u32 $0x1D, v16  }
0x160: {  	v34 =	vor.u32 $0x1D, v37;
	v9 =	vmul.f32 v61, v9;
	v14 =	vld.idx.msk [tilespmem:v14+s13+$0x0], $0xffff;
	v10 =	vadd.f32 v10, v11  }
0x161: {  	v35 =	vld.idx.msk [tilespmem:v62+s13+$0x0], $0xffff;
	v17 =	vmul.f32 v17, v8;
	v18 =	vadd.f32 v18, v19;
	v11 =	vor.u32 $0x1E, v16  }
0x162: {  	v36 =	vor.u32 $0x1E, v37;
	v8 =	vmul.f32 v63, v8;
	v13 =	vld.idx.msk [tilespmem:v13+s13+$0x0], $0xffff;
	v9 =	vadd.f32 v9, v10  }
0x163: {  	v43 =	vld.idx.msk [tilespmem:v32+s13+$0x0], $0xffff;
	v42 =	vadd.f32 v17, v18;
	v10 =	vor.u32 $0x1F, v16;
	v15 =	vmul.f32 v15, v7  }
0x164: {  	v44 =	vor.u32 $0x1F, v37;
	v7 =	vmul.f32 v33, v7;
	v12 =	vld.idx.msk [tilespmem:v12+s13+$0x0], $0xffff;
	v8 =	vadd.f32 v8, v9  }
0x165: {  	v45 =	vld.idx.msk [tilespmem:v34+s13+$0x0], $0xffff;
	v9 =	vadd.f32 v41, v29;
	v14 =	vmul.f32 v14, v6;
	v15 =	vadd.f32 v15, v42  }
0x166: {  	v1 =	vand.u32 $0x3F, v1;
	v6 =	vmul.f32 v35, v6;
	v11 =	vld.idx.msk [tilespmem:v11+s13+$0x0], $0xffff;
	v7 =	vadd.f32 v7, v8  }
0x167: {  	v0 =	vadd.f32 v0, v9;
	v8 =	vmul.f32 v13, v5;
	v9 =	vadd.f32 v14, v15;
	v13 =	vld.idx.msk [tilespmem:v36+s13+$0x0], $0xffff  }
0x168: {  	v1 =	vadd.s32 v58, v1;
	v5 =	vmul.f32 v43, v5;
	v10 =	vld.idx.msk [tilespmem:v10+s13+$0x0], $0xffff;
	v6 =	vadd.f32 v6, v7  }
0x169: {  	v46 =	vmul.f32 v39, v3;
	v7 =	vmul.f32 v12, v2;
	v8 =	vadd.f32 v8, v9;
	v9 =	vld.idx.msk [tilespmem:v44+s13+$0x0], $0xffff  }
0x16a: {  	v14 =	vmul.f32 v40, v4;
	v2 =	vmul.f32 v45, v2;
	v5 =	vadd.f32 v5, v6  }
0x16b: {  	v0 =	vadd.f32 v46, v0;
	v6 =	vmul.f32 v11, v3;
	v7 =	vadd.f32 v7, v8  }
0x16c: {  	v8 =	vand.u32 $0x3F, v30;
	v3 =	vmul.f32 v13, v3;
	v2 =	vadd.f32 v2, v5  }
0x16d: {  	v5 =	vmul.f32 v10, v4;
	v6 =	vadd.f32 v6, v7;
	v7 =	vadd.s32 v58, v8  }
0x16e: {  	v0 =	vadd.f32 v14, v0;
	v4 =	vmul.f32 v9, v4;
	v2 =	vadd.f32 v3, v2  }
0x16f: {  	v3 =	vadd.f32 v5, v6  }
0x170: {  	[tilespmem:v38+s18+$0x0] =	vst.idx.msk $0xffff, v0;
	v0 =	vadd.f32 v4, v2  }
0x171: {  	[tilespmem:v1+s18+$0x0] =	vst.idx.msk $0xffff, v3  }
0x172: {  	[tilespmem:v7+s18+$0x0] =	vst.idx.msk $0xffff, v0  }
0x173: {  	v0 =	vld [tilespmem:$0x1FE00];
	_ =	sdelay $0x7  }
0x174: {  	v52 =	vld.idx.msk [tilespmem:v0+s15+$0x0], $0xffff  }
0x175: {  	v0 =	vld [tilespmem:$0x1FE10];
	_ =	sdelay $0x7  }
0x176: {  	v55 =	vld.idx.msk [tilespmem:v0+s15+$0x0], $0xffff  }
0x177: {  	v0 =	vld [tilespmem:$0x1FE20];
	_ =	sdelay $0x7  }
0x178: {  	v59 =	vld.idx.msk [tilespmem:v0+s15+$0x0], $0xffff  }
0x179: {  	v0 =	vld [tilespmem:$0x1FE30];
	_ =	sdelay $0x7  }
0x17a: {  	v61 =	vld.idx.msk [tilespmem:v0+s15+$0x0], $0xffff  }
0x17b: {  	v0 =	vld [tilespmem:$0x1FE40];
	_ =	sdelay $0x7  }
0x17c: {  	v63 =	vld.idx.msk [tilespmem:v0+s15+$0x0], $0xffff  }
0x17d: {  	v0 =	vld [tilespmem:$0x1FE50];
	_ =	sdelay $0x7  }
0x17e: {  	v36 =	vld.idx.msk [tilespmem:v0+s15+$0x0], $0xffff  }
0x17f: {  	v0 =	vld [tilespmem:$0x1FE60];
	_ =	sdelay $0x7  }
0x180: {  	v14 =	vld.idx.msk [tilespmem:v0+s15+$0x0], $0xffff  }
0x181: {  	v0 =	vld [tilespmem:$0x1FE70];
	_ =	sdelay $0x7  }
0x182: {  	v15 =	vld.idx.msk [tilespmem:v0+s15+$0x0], $0xffff  }
0x183: {  	v0 =	vld [tilespmem:$0x1FE80];
	_ =	sdelay $0x7  }
0x184: {  	v16 =	vld.idx.msk [tilespmem:v0+s15+$0x0], $0xffff  }
0x185: {  	v0 =	vld [tilespmem:$0x1FE90];
	_ =	sdelay $0x2  }
0x186: {  	v1 =	vld [tilespmem:$0x1FEB0];
	_ =	sdelay $0x4  }
0x187: {  	v62 =	vld.idx.msk [tilespmem:v0+s15+$0x0], $0xffff  }
0x188: {  	v0 =	vld [tilespmem:$0x1FEA0];
	_ =	sdelay $0x1  }
0x189: {  	v54 =	vld.idx.msk [tilespmem:v1+s15+$0x0], $0xffff  }
0x18a: {  	v1 =	vld [tilespmem:$0x1FEC0];
	_ =	sdelay $0x3  }
0x18b: {  	s21 =	simm.s32 $0x320  }
0x18c: {  	v60 =	vld.idx.msk [tilespmem:v0+s15+$0x0], $0xffff;
	v0 =	vmov s21  }
0x18d: {  	v0 =	vshll.u32 v0, $0x5  }
0x18e: {  	v35 =	vadd.s32 v57, v0;
	v0 =	vld [tilespmem:$0x1FED0]  }
0x18f: {  	v53 =	vld.idx.msk [tilespmem:v1+s15+$0x0], $0xffff  }
0x190: {  	v1 =	vld [tilespmem:$0x1FEF0];
	_ =	sdelay $0x4  }
0x191: {  	v3 =	vld [tilespmem:$0x1FF10]  }
0x192: {  	v29 =	vld.idx.msk [tilespmem:v0+s15+$0x0], $0xffff  }
0x193: {  	v0 =	vld [tilespmem:$0x1FEE0]  }
0x194: {  	v50 =	vld.idx.msk [tilespmem:v1+s15+$0x0], $0xffff  }
0x195: {  	v1 =	vld [tilespmem:$0x1FF00];
	_ =	sdelay $0x1  }
0x196: {  	v4 =	vld [tilespmem:$0x1FF20]  }
0x197: {  	v5 =	vld [tilespmem:$0x1FF30]  }
0x198: {  	v6 =	vld [tilespmem:$0x1FF40]  }
0x199: {  	v7 =	vld [tilespmem:$0x1FF50]  }
0x19a: {  	v49 =	vld.idx.msk [tilespmem:v0+s15+$0x0], $0xffff;
	v0 =	vor.u32 $0x1, v35  }
0x19b: {  	v24 =	vld.idx.msk [tilespmem:v3+s15+$0x0], $0xffff  }
0x19c: {  	[tilespmem:$0x1FBF0] =	vst v50;
	v25 =	vld.idx.msk [tilespmem:v1+s15+$0x0], $0xffff;
	v1 =	vor.u32 $0x2, v35  }
0x19d: {  	v2 =	vld.idx.msk [tilespmem:v35+s13+$0x0], $0xffff  }
0x19e: {  	v22 =	vld.idx.msk [tilespmem:v4+s15+$0x0], $0xffff;
	v3 =	vor.u32 $0x3, v35  }
0x19f: {  	v0 =	vld.idx.msk [tilespmem:v0+s13+$0x0], $0xffff  }
0x1a0: {  	v21 =	vld.idx.msk [tilespmem:v5+s15+$0x0], $0xffff;
	v4 =	vor.u32 $0x4, v35  }
0x1a1: {  	v5 =	vor.u32 $0x5, v35;
	v1 =	vld.idx.msk [tilespmem:v1+s13+$0x0], $0xffff  }
0x1a2: {  	v20 =	vld.idx.msk [tilespmem:v6+s15+$0x0], $0xffff;
	v2 =	vmul.f32 v2, v52  }
0x1a3: {  	v6 =	vor.u32 $0x6, v35;
	v3 =	vld.idx.msk [tilespmem:v3+s13+$0x0], $0xffff  }
0x1a4: {  	v18 =	vld.idx.msk [tilespmem:v7+s15+$0x0], $0xffff;
	v2 =	vadd.f32 $0.0e+00, v2;
	v0 =	vmul.f32 v0, v55  }
0x1a5: {  	v7 =	vor.u32 $0x7, v35;
	v4 =	vld.idx.msk [tilespmem:v4+s13+$0x0], $0xffff  }
0x1a6: {  	v1 =	vmul.f32 v1, v59;
	v0 =	vadd.f32 v0, v2;
	v2 =	vld.idx.msk [tilespmem:v5+s13+$0x0], $0xffff  }
0x1a7: {  	v5 =	vld [tilespmem:$0x1FF60]  }
0x1a8: {  	v0 =	vadd.f32 v1, v0;
	v1 =	vmul.f32 v3, v61;
	v3 =	vld.idx.msk [tilespmem:v6+s13+$0x0], $0xffff  }
0x1a9: {  	v6 =	vld [tilespmem:$0x1FF70]  }
0x1aa: {  	v0 =	vadd.f32 v1, v0;
	v1 =	vmul.f32 v4, v63;
	v4 =	vld.idx.msk [tilespmem:v7+s13+$0x0], $0xffff  }
0x1ab: {  	v7 =	vld [tilespmem:$0x1FF80];
	_ =	sdelay $0x1  }
0x1ac: {  	v9 =	vld [tilespmem:$0x1FF90]  }
0x1ad: {  	v10 =	vld [tilespmem:$0x1FFD0]  }
0x1ae: {  	v17 =	vld.idx.msk [tilespmem:v5+s15+$0x0], $0xffff;
	v5 =	vor.u32 $0x8, v35  }
0x1af: {  	v11 =	vld [tilespmem:$0x1FFA0]  }
0x1b0: {  	v19 =	vld.idx.msk [tilespmem:v6+s15+$0x0], $0xffff;
	v6 =	vor.u32 $0x9, v35  }
0x1b1: {  	v2 =	vmul.f32 v2, v36;
	v0 =	vadd.f32 v1, v0  }
0x1b2: {  	v23 =	vld.idx.msk [tilespmem:v7+s15+$0x0], $0xffff;
	v7 =	vor.u32 $0xA, v35  }
0x1b3: {  	v0 =	vadd.f32 v2, v0;
	v2 =	vmul.f32 v3, v14;
	v3 =	vor.u32 $0x21F, v10;
	v5 =	vld.idx.msk [tilespmem:v5+s13+$0x0], $0xffff  }
0x1b4: {  	v26 =	vld.idx.msk [tilespmem:v9+s15+$0x0], $0xffff;
	v9 =	vor.u32 $0xB, v35;
	[tilespmem:$0x1FB80] =	vst v3  }
0x1b5: {  	v6 =	vld.idx.msk [tilespmem:v6+s13+$0x0], $0xffff  }
0x1b6: {  	v0 =	vadd.f32 v2, v0;
	v2 =	vmul.f32 v4, v15  }
0x1b7: {  	v8 =	vor.u32 $0x21D, v10;
	v7 =	vld.idx.msk [tilespmem:v7+s13+$0x0], $0xffff  }
0x1b8: {  	s24 =	simm.s32 $0x321;
	v27 =	vld.idx.msk [tilespmem:v11+s15+$0x0], $0xffff;
	v0 =	vadd.f32 v2, v0;
	v3 =	vor.u32 $0xC, v35;
	v2 =	vmul.f32 v5, v16  }
0x1b9: {  	v11 =	vor.u32 $0xD, v35;
	v12 =	vor.u32 $0xE, v35;
	v4 =	vmov s24;
	v5 =	vld.idx.msk [tilespmem:v9+s13+$0x0], $0xffff  }
0x1ba: {  	v4 =	vshll.u32 v4, $0x5;
	v0 =	vadd.f32 v2, v0;
	v2 =	vmul.f32 v6, v62  }
0x1bb: {  	v13 =	vld [tilespmem:$0x1FFB0];
	v45 =	vadd.s32 v57, v4  }
0x1bc: {  	v56 =	vld.idx.msk [tilespmem:v8+s15+$0x0], $0xffff;
	v6 =	vor.u32 $0x1, v45;
	v0 =	vadd.f32 v2, v0;
	v2 =	vmul.f32 v7, v60  }
0x1bd: {  	v8 =	vor.u32 $0xF, v35;
	v1 =	vor.u32 $0x21E, v10;
	v47 =	vld.idx.msk [tilespmem:v3+s13+$0x0], $0xffff  }
0x1be: {  	v10 =	vor.u32 $0x13, v35;
	v11 =	vld.idx.msk [tilespmem:v11+s13+$0x0], $0xffff;
	v48 =	vmul.f32 v5, v54;
	v0 =	vadd.f32 v2, v0  }
0x1bf: {  	v30 =	vor.u32 $0x10, v35;
	v12 =	vld.idx.msk [tilespmem:v12+s13+$0x0], $0xffff  }
0x1c0: {  	v51 =	vor.u32 $0x2, v45;
	v38 =	vld.idx.msk [tilespmem:v45+s13+$0x0], $0xffff;
	v39 =	vadd.f32 v48, v0;
	v0 =	vor.u32 $0x13, v45  }
0x1c1: {  	v31 =	vor.u32 $0x11, v35;
	v6 =	vld.idx.msk [tilespmem:v6+s13+$0x0], $0xffff;
	[tilespmem:$0x1FBD0] =	vst v0  }
0x1c2: {  	v43 =	vor.u32 $0x3, v45;
	v37 =	vmul.f32 v47, v53;
	v8 =	vld.idx.msk [tilespmem:v8+s13+$0x0], $0xffff  }
0x1c3: {  	v32 =	vor.u32 $0x12, v35;
	v10 =	vld.idx.msk [tilespmem:v10+s13+$0x0], $0xffff  }
0x1c4: {  	v44 =	vor.u32 $0x4, v45;
	v11 =	vmul.f32 v11, v29;
	v37 =	vadd.f32 v37, v39;
	v30 =	vld.idx.msk [tilespmem:v30+s13+$0x0], $0xffff  }
0x1c5: {  	v46 =	vor.u32 $0x6, v45;
	v42 =	vld.idx.msk [tilespmem:v51+s13+$0x0], $0xffff  }
0x1c6: {  	v12 =	vmul.f32 v12, v49;
	v48 =	vor.u32 $0x5, v45;
	v31 =	vld.idx.msk [tilespmem:v31+s13+$0x0], $0xffff;
	v11 =	vadd.f32 v11, v37  }
0x1c7: {  	v33 =	vor.u32 $0x16, v35;
	v9 =	vor.u32 $0x15, v35;
	v38 =	vmul.f32 v38, v52;
	v43 =	vld.idx.msk [tilespmem:v43+s13+$0x0], $0xffff  }
0x1c8: {  	v39 =	vor.u32 $0x7, v45;
	v32 =	vld.idx.msk [tilespmem:v32+s13+$0x0], $0xffff;
	v11 =	vadd.f32 v12, v11;
	v8 =	vmul.f32 v8, v50  }
0x1c9: {  	s23 =	simm.s32 $0x322;
	v38 =	vadd.f32 $0.0e+00, v38;
	v44 =	vld.idx.msk [tilespmem:v44+s13+$0x0], $0xffff;
	[tilespmem:$0x1F9E0] =	vst v25;
	v0 =	vmovc v49;
	v49 =	vmul.f32 v6, v55;
	v12 =	vor.u32 $0x14, v35  }
0x1ca: {  	v46 =	vld.idx.msk [tilespmem:v46+s13+$0x0], $0xffff;
	v8 =	vadd.f32 v8, v11;
	v11 =	vmul.f32 v30, v25;
	v30 =	vmov s23  }
0x1cb: {  	v48 =	vld.idx.msk [tilespmem:v48+s13+$0x0], $0xffff;
	v38 =	vadd.f32 v49, v38;
	v42 =	vmul.f32 v42, v59;
	v30 =	vshll.u32 v30, $0x5  }
0x1cc: {  	v4 =	vld [tilespmem:$0x1FFC0];
	[tilespmem:$0x1F9F0] =	vst v24;
	v8 =	vadd.f32 v11, v8;
	v11 =	vmul.f32 v31, v24;
	v30 =	vadd.s32 v57, v30  }
0x1cd: {  	v47 =	vor.u32 $0x8, v45;
	v39 =	vld.idx.msk [tilespmem:v39+s13+$0x0], $0xffff;
	v31 =	vadd.f32 v42, v38  }
0x1ce: {  	v12 =	vld.idx.msk [tilespmem:v12+s13+$0x0], $0xffff;
	[tilespmem:$0x1FA00] =	vst v22;
	v42 =	vor.u32 $0x1, v30;
	v8 =	vadd.f32 v11, v8;
	v11 =	vmul.f32 v32, v22  }
0x1cf: {  	v34 =	vor.u32 $0x17, v35;
	v57 =	vmul.f32 v43, v61;
	v9 =	vld.idx.msk [tilespmem:v9+s13+$0x0], $0xffff;
	[tilespmem:$0x1FA10] =	vst v21  }
0x1d0: {  	v10 =	vmul.f32 v10, v21;
	v43 =	vor.u32 $0x2, v30;
	v33 =	vld.idx.msk [tilespmem:v33+s13+$0x0], $0xffff;
	v8 =	vadd.f32 v11, v8  }
0x1d1: {  	v7 =	vor.u32 $0x18, v35;
	v31 =	vadd.f32 v57, v31;
	v57 =	vld.idx.msk [tilespmem:v30+s13+$0x0], $0xffff  }
0x1d2: {  	v8 =	vadd.f32 v10, v8;
	v10 =	vld.idx.msk [tilespmem:v47+s13+$0x0], $0xffff;
	[tilespmem:$0x1FA20] =	vst v20  }
0x1d3: {  	v37 =	vor.u32 $0x9, v45;
	v24 =	vmul.f32 v44, v63;
	v12 =	vmul.f32 v12, v20;
	v42 =	vld.idx.msk [tilespmem:v42+s13+$0x0], $0xffff  }
0x1d4: {  	v25 =	vmul.f32 v48, v36;
	v22 =	vor.u32 $0x3, v30;
	v34 =	vld.idx.msk [tilespmem:v34+s13+$0x0], $0xffff;
	[tilespmem:$0x1FA30] =	vst v18  }
0x1d5: {  	v31 =	vadd.f32 v24, v31;
	v8 =	vadd.f32 v12, v8;
	v12 =	vor.u32 $0xA, v45;
	v43 =	vld.idx.msk [tilespmem:v43+s13+$0x0], $0xffff  }
0x1d6: {  	v40 =	vor.u32 $0x19, v35;
	v7 =	vld.idx.msk [tilespmem:v7+s13+$0x0], $0xffff;
	[tilespmem:$0x1FA40] =	vst v52  }
0x1d7: {  	v28 =	vld.idx.msk [tilespmem:v4+s15+$0x0], $0xffff;
	v31 =	vadd.f32 v25, v31;
	v25 =	vor.u32 $0x4, v30;
	[tilespmem:$0x1FA50] =	vst v17  }
0x1d8: {  	v50 =	vor.u32 $0xB, v45;
	v37 =	vld.idx.msk [tilespmem:v37+s13+$0x0], $0xffff  }
0x1d9: {  	v41 =	vor.u32 $0x1A, v35;
	v9 =	vmul.f32 v9, v18;
	v33 =	vmul.f32 v33, v17;
	v17 =	vld.idx.msk [tilespmem:v22+s13+$0x0], $0xffff;
	[tilespmem:$0x1FA60] =	vst v55  }
0x1da: {  	v21 =	vmul.f32 v46, v14;
	v12 =	vld.idx.msk [tilespmem:v12+s13+$0x0], $0xffff;
	[tilespmem:$0x1FA70] =	vst v19  }
0x1db: {  	v24 =	vmul.f32 v39, v15;
	v8 =	vadd.f32 v9, v8;
	v20 =	vld.idx.msk [tilespmem:v40+s13+$0x0], $0xffff;
	[tilespmem:$0x1FA80] =	vst v59  }
0x1dc: {  	v31 =	vadd.f32 v21, v31;
	v21 =	vor.u32 $0x5, v30;
	v57 =	vmul.f32 v57, v52;
	v47 =	vld.idx.msk [tilespmem:v25+s13+$0x0], $0xffff  }
0x1dd: {  	v49 =	vor.u32 $0xC, v45;
	v8 =	vadd.f32 v33, v8;
	v19 =	vmul.f32 v34, v19;
	v22 =	vld.idx.msk [tilespmem:v50+s13+$0x0], $0xffff;
	[tilespmem:$0x1FA90] =	vst v62  }
0x1de: {  	v4 =	vor.u32 $0x1B, v35;
	v31 =	vadd.f32 v24, v31;
	v10 =	vmul.f32 v10, v16;
	v25 =	vld.idx.msk [tilespmem:v41+s13+$0x0], $0xffff;
	[tilespmem:$0x1FAA0] =	vst v23  }
0x1df: {  	v5 =	vor.u32 $0x1C, v35;
	v7 =	vmul.f32 v7, v23;
	v8 =	vadd.f32 v19, v8;
	[tilespmem:$0x1FAB0] =	vst v61  }
0x1e0: {  	v18 =	vadd.f32 $0.0e+00, v57;
	v57 =	vld.idx.msk [tilespmem:v1+s15+$0x0], $0xffff;
	v10 =	vadd.f32 v10, v31;
	v24 =	vmul.f32 v37, v62;
	[tilespmem:$0x1FAC0] =	vst v60  }
0x1e1: {  	v51 =	vor.u32 $0xD, v45;
	v42 =	vmul.f32 v42, v55;
	v7 =	vadd.f32 v7, v8;
	v8 =	vld.idx.msk [tilespmem:v21+s13+$0x0], $0xffff;
	[tilespmem:$0x1FAD0] =	vst v26  }
0x1e2: {  	v43 =	vmul.f32 v43, v59;
	v1 =	vadd.f32 v24, v10;
	v10 =	vor.u32 $0x6, v30;
	v49 =	vld.idx.msk [tilespmem:v49+s13+$0x0], $0xffff  }
0x1e3: {  	v46 =	vadd.f32 v42, v18;
	v12 =	vmul.f32 v12, v60;
	v60 =	vor.u32 $0x7, v30;
	v4 =	vld.idx.msk [tilespmem:v4+s13+$0x0], $0xffff;
	[tilespmem:$0x1FAE0] =	vst v63  }
0x1e4: {  	v13 =	vld.idx.msk [tilespmem:v13+s15+$0x0], $0xffff;
	[tilespmem:$0x1FAF0] =	vst v54  }
0x1e5: {  	v2 =	vor.u32 $0x1D, v35;
	v55 =	vmul.f32 v17, v61;
	v43 =	vadd.f32 v43, v46;
	v5 =	vld.idx.msk [tilespmem:v5+s13+$0x0], $0xffff;
	[tilespmem:$0x1FB00] =	vst v27  }
0x1e6: {  	v34 =	vmul.f32 v20, v26;
	v20 =	vld.idx.msk [tilespmem:v51+s13+$0x0], $0xffff  }
0x1e7: {  	v32 =	vor.u32 $0xE, v45;
	v59 =	vadd.f32 v55, v43;
	v10 =	vld.idx.msk [tilespmem:v10+s13+$0x0], $0xffff  }
0x1e8: {  	v62 =	vor.u32 $0x8, v30;
	v1 =	vadd.f32 v12, v1;
	v12 =	vmul.f32 v47, v63;
	v21 =	vld.idx.msk [tilespmem:v60+s13+$0x0], $0xffff;
	[tilespmem:$0x1FB10] =	vst v36  }
0x1e9: {  	s22 =	simm.s32 $0x0;
	v6 =	vor.u32 $0x1E, v35;
	v63 =	vadd.s32 $0x380, v58;
	[tilespmem:$0x1FB20] =	vst v53  }
0x1ea: {  	v3 =	vmov s22;
	v12 =	vadd.f32 v12, v59;
	v8 =	vmul.f32 v8, v36;
	v2 =	vld.idx.msk [tilespmem:v2+s13+$0x0], $0xffff;
	[tilespmem:$0x1FB30] =	vst v63  }
0x1eb: {  	v3 =	vand.u32 $0x3F, v3;
	v33 =	vmul.f32 v22, v54;
	v22 =	vor.u32 $0x1F, v35;
	[tilespmem:$0x1FB40] =	vst v13  }
0x1ec: {  	v35 =	vadd.s32 v63, v3;
	v3 =	vmul.f32 v4, v13;
	v4 =	vadd.f32 v8, v12;
	v12 =	vld.idx.msk [tilespmem:v32+s13+$0x0], $0xffff  }
0x1ed: {  	v8 =	vor.u32 $0xF, v45;
	v24 =	vld.idx.msk [tilespmem:v62+s13+$0x0], $0xffff;
	[tilespmem:$0x1FB50] =	vst v14  }
0x1ee: {  	v6 =	vld.idx.msk [tilespmem:v6+s13+$0x0], $0xffff;
	[tilespmem:$0x1FB60] =	vst v28  }
0x1ef: {  	[tilespmem:$0x1FB70] =	vst v29  }
0x1f0: {  	v48 =	vor.u32 $0x11, v45;
	v38 =	vor.u32 $0x15, v45;
	v44 =	vor.u32 $0x1A, v45;
	v13 =	vld [tilespmem:$0x1FB80];
	[tilespmem:$0x1FB90] =	vst v15  }
0x1f1: {  	v11 =	vor.u32 $0x10, v45;
	v39 =	vor.u32 $0x16, v45;
	v9 =	vor.u32 $0x12, v45;
	v26 =	vld.idx.msk [tilespmem:v22+s13+$0x0], $0xffff  }
0x1f2: {  	v52 =	vor.u32 $0x16, v30;
	v42 =	vor.u32 $0x17, v45;
	v40 =	vor.u32 $0x18, v45;
	v36 =	vld.idx.msk [tilespmem:v8+s13+$0x0], $0xffff  }
0x1f3: {  	v7 =	vadd.f32 v34, v7;
	v61 =	vmul.f32 v25, v27;
	[tilespmem:$0x1FBB0] =	vst v0;
	v8 =	vmul.f32 v12, v0;
	v0 =	vld [tilespmem:$0x1FBD0]  }
0x1f4: {  	s24 =	simm.s32 $0x1;
	v37 =	vor.u32 $0x19, v45;
	v50 =	vor.u32 $0x17, v30;
	v41 =	vor.u32 $0x1C, v45  }
0x1f5: {  	v23 =	vmov s24;
	v43 =	vor.u32 $0x1B, v45;
	v7 =	vadd.f32 v61, v7  }
0x1f6: {  	v55 =	vor.u32 $0xC, v30;
	v51 =	vor.u32 $0xB, v30;
	v10 =	vmul.f32 v10, v14  }
0x1f7: {  	v5 =	vmul.f32 v5, v28;
	v3 =	vadd.f32 v3, v7;
	v7 =	vor.u32 $0x13, v30  }
0x1f8: {  	v1 =	vadd.f32 v33, v1;
	v4 =	vadd.f32 v10, v4;
	v10 =	vmul.f32 v21, v15  }
0x1f9: {  	v49 =	vmul.f32 v49, v53;
	v3 =	vadd.f32 v5, v3;
	[tilespmem:$0x1FBA0] =	vst v56;
	v2 =	vmul.f32 v2, v56  }
0x1fa: {  	v5 =	vor.u32 $0x1F, v45;
	[tilespmem:$0x1FBC0] =	vst v16;
	v4 =	vadd.f32 v10, v4;
	v10 =	vmul.f32 v24, v16;
	v13 =	vld.idx.msk [tilespmem:v13+s15+$0x0], $0xffff  }
0x1fb: {  	v58 =	vor.u32 $0x11, v30;
	v47 =	vld.idx.msk [tilespmem:v0+s13+$0x0], $0xffff;
	v0 =	vadd.f32 v2, v3;
	[tilespmem:$0x1FBE0] =	vst v57;
	v3 =	vmul.f32 v6, v57  }
0x1fc: {  	v27 =	vor.u32 $0x1E, v45;
	v1 =	vadd.f32 v49, v1;
	v25 =	vmul.f32 v20, v29;
	v60 =	vld.idx.msk [tilespmem:v7+s13+$0x0], $0xffff  }
0x1fd: {  	v54 =	vor.u32 $0x19, v30;
	v2 =	vadd.f32 v10, v4;
	v4 =	vadd.f32 v3, v0;
	v0 =	vld [tilespmem:$0x1FBF0]  }
0x1fe: {  	v33 =	vor.u32 $0x1D, v45;
	v59 =	vor.u32 $0x15, v30;
	v1 =	vadd.f32 v25, v1;
	v7 =	vld.idx.msk [tilespmem:v11+s13+$0x0], $0xffff  }
0x1ff: {  	v53 =	vor.u32 $0xD, v30;
	v61 =	vor.u32 $0x10, v30;
	v49 =	vor.u32 $0x9, v30;
	v32 =	vld.idx.msk [tilespmem:v5+s13+$0x0], $0xffff;
	[tilespmem:$0x1FC00] =	vst v13  }
0x200: {  	v62 =	vor.u32 $0x1B, v30;
	v56 =	vor.u32 $0xE, v30;
	v8 =	vadd.f32 v8, v1;
	v11 =	vld.idx.msk [tilespmem:v48+s13+$0x0], $0xffff  }
0x201: {  	v1 =	vand.u32 $0x3F, v23;
	v10 =	vor.u32 $0x14, v45;
	v6 =	vmul.f32 v26, v13;
	v45 =	vld.idx.msk [tilespmem:v27+s13+$0x0], $0xffff  }
0x202: {  	v57 =	vor.u32 $0x1A, v30;
	v3 =	vor.u32 $0x12, v30;
	v9 =	vld.idx.msk [tilespmem:v9+s13+$0x0], $0xffff;
	v12 =	vmul.f32 v36, v0  }
0x203: {  	s21 =	simm.s32 $0x2;
	s22 =	simm.s32 $0x3;
	v48 =	vor.u32 $0x18, v30;
	v46 =	vld.idx.msk [tilespmem:v33+s13+$0x0], $0xffff;
	v33 =	vor.u32 $0x1C, v30;
	v0 =	vor.u32 $0x1D, v30  }
.LBB2_5:
0x204: {  	v5 =	vadd.f32 v12, v8;
	v8 =	vld [tilespmem:$0x1F9E0];
	_ =	sdelay $0x1  }
0x205: {  	v63 =	vmov v3;
	v3 =	vld [tilespmem:$0x1FA10]  }
0x206: {  	v27 =	vadd.f32 v6, v4;
	v4 =	vld [tilespmem:$0x1F9F0]  }
0x207: {  	v17 =	vld [tilespmem:$0x1FA00]  }
0x208: {  	v12 =	vmul.f32 v7, v8;
	v8 =	vld [tilespmem:$0x1FB30]  }
0x209: {  	v10 =	vld.idx.msk [tilespmem:v10+s13+$0x0], $0xffff  }
0x20a: {  	v12 =	vadd.f32 v12, v5;
	v5 =	vld [tilespmem:$0x1FFF0]  }
0x20b: {  	v25 =	vld [tilespmem:$0x1FA20];
	v11 =	vmul.f32 v11, v4  }
0x20c: {  	s23 =	sadd.s32 $0x320, s22;
	v9 =	vmul.f32 v9, v17  }
0x20d: {  	v11 =	vadd.f32 v11, v12;
	v13 =	vadd.s32 v8, v1;
	v1 =	vmovc v0;
	v0 =	vmov s23  }
0x20e: {  	v28 =	vld [tilespmem:$0x1FA30];
	v0 =	vshll.u32 v0, $0x5  }
0x20f: {  	v7 =	vld.idx.msk [tilespmem:v41+s13+$0x0], $0xffff;
	v3 =	vmul.f32 v47, v3;
	v9 =	vadd.f32 v9, v11;
	v6 =	vadd.s32 v5, v0  }
0x210: {  	v10 =	vmul.f32 v10, v25;
	v4 =	vmov v32;
	v32 =	vld.idx.msk [tilespmem:v44+s13+$0x0], $0xffff  }
0x211: {  	v8 =	vld.idx.msk [tilespmem:v43+s13+$0x0], $0xffff;
	[tilespmem:v35+s18+$0x0] =	vst.idx.msk $0xffff, v27;
	v35 =	vmov v13;
	v13 =	vor.u32 $0x1, v6;
	v9 =	vadd.f32 v3, v9  }
0x212: {  	v31 =	vld.idx.msk [tilespmem:v49+s13+$0x0], $0xffff  }
0x213: {  	v9 =	vadd.f32 v10, v9;
	v10 =	vld [tilespmem:$0x1FA40]  }
0x214: {  	v36 =	vor.u32 $0x9, v6;
	v21 =	vld.idx.msk [tilespmem:v6+s13+$0x0], $0xffff  }
0x215: {  	v49 =	vmov v36;
	v36 =	vld [tilespmem:$0x1FA60]  }
0x216: {  	v11 =	vld.idx.msk [tilespmem:v13+s13+$0x0], $0xffff  }
0x217: {  	v41 =	vmov v33;
	v43 =	vmov v62;
	v62 =	vld.idx.msk [tilespmem:v38+s13+$0x0], $0xffff;
	v33 =	vor.u32 $0x2, v6;
	_ =	sdelay $0x1  }
0x218: {  	v29 =	vld [tilespmem:$0x1FAD0];
	v10 =	vmul.f32 v21, v10  }
0x219: {  	v44 =	vmov v57;
	v57 =	vld [tilespmem:$0x1FA50]  }
0x21a: {  	v12 =	vld.idx.msk [tilespmem:v37+s13+$0x0], $0xffff;
	v11 =	vmul.f32 v11, v36;
	v10 =	vadd.f32 $0.0e+00, v10  }
0x21b: {  	v34 =	vor.u32 $0x3, v6;
	v62 =	vmul.f32 v62, v28;
	v28 =	vld.idx.msk [tilespmem:v33+s13+$0x0], $0xffff  }
0x21c: {  	v10 =	vadd.f32 v11, v10;
	v11 =	vld [tilespmem:$0x1FA80]  }
0x21d: {  	v17 =	vld.idx.msk [tilespmem:v39+s13+$0x0], $0xffff  }
0x21e: {  	v20 =	vld.idx.msk [tilespmem:v42+s13+$0x0], $0xffff  }
0x21f: {  	v27 =	vld.idx.msk [tilespmem:v40+s13+$0x0], $0xffff;
	v14 =	vor.u32 $0x4, v6  }
0x220: {  	v0 =	vor.u32 $0xA, v30;
	v21 =	vld.idx.msk [tilespmem:v34+s13+$0x0], $0xffff  }
0x221: {  	v22 =	vor.u32 $0xB, v6;
	v36 =	vld.idx.msk [tilespmem:v51+s13+$0x0], $0xffff;
	v11 =	vmul.f32 v28, v11  }
0x222: {  	v51 =	vmov v22;
	v22 =	vld [tilespmem:$0x1FAA0]  }
0x223: {  	v10 =	vadd.f32 v11, v10;
	v11 =	vld [tilespmem:$0x1FAB0]  }
0x224: {  	v14 =	vld.idx.msk [tilespmem:v14+s13+$0x0], $0xffff  }
0x225: {  	v34 =	vld.idx.msk [tilespmem:v0+s13+$0x0], $0xffff  }
0x226: {  	v0 =	vld [tilespmem:$0x1FA70]  }
0x227: {  	v22 =	vmul.f32 v27, v22;
	v27 =	vld [tilespmem:$0x1FA90]  }
0x228: {  	v12 =	vmul.f32 v12, v29;
	v29 =	vor.u32 $0x5, v6;
	v28 =	vld.idx.msk [tilespmem:v55+s13+$0x0], $0xffff;
	v11 =	vmul.f32 v21, v11  }
0x229: {  	v55 =	vld [tilespmem:$0x1FB00]  }
0x22a: {  	v17 =	vmul.f32 v17, v57;
	v9 =	vadd.f32 v62, v9;
	v10 =	vadd.f32 v11, v10;
	v11 =	vld [tilespmem:$0x1FAE0];
	_ =	sdelay $0x1  }
0x22b: {  	v9 =	vadd.f32 v17, v9;
	v20 =	vmul.f32 v20, v0  }
0x22c: {  	v17 =	vld.idx.msk [tilespmem:v29+s13+$0x0], $0xffff;
	v27 =	vmul.f32 v31, v27  }
0x22d: {  	v9 =	vadd.f32 v20, v9;
	v20 =	vmul.f32 v32, v55;
	v32 =	vld [tilespmem:$0x1FAC0]  }
0x22e: {  	v13 =	vor.u32 $0xD, v6;
	v2 =	vadd.f32 v27, v2;
	v27 =	vld.idx.msk [tilespmem:v53+s13+$0x0], $0xffff;
	v11 =	vmul.f32 v14, v11  }
0x22f: {  	v15 =	vor.u32 $0x6, v6;
	v53 =	vmov v13;
	v13 =	vld [tilespmem:$0x1FAF0]  }
0x230: {  	v10 =	vadd.f32 v11, v10;
	v11 =	vld [tilespmem:$0x1FB10]  }
0x231: {  	v23 =	vor.u32 $0xC, v6  }
0x232: {  	v55 =	vmov v23;
	v23 =	vmul.f32 v34, v32  }
0x233: {  	v34 =	vld [tilespmem:$0x1FB60]  }
0x234: {  	v15 =	vld.idx.msk [tilespmem:v15+s13+$0x0], $0xffff;
	v13 =	vmul.f32 v36, v13;
	v2 =	vadd.f32 v23, v2  }
0x235: {  	v32 =	vld [tilespmem:$0x1FB40];
	v11 =	vmul.f32 v17, v11  }
0x236: {  	v2 =	vadd.f32 v13, v2;
	v13 =	vld [tilespmem:$0x1FB20]  }
0x237: {  	v16 =	vor.u32 $0x7, v6;
	v10 =	vadd.f32 v11, v10;
	v11 =	vld [tilespmem:$0x1FB50]  }
0x238: {  	v9 =	vadd.f32 v22, v9;
	v17 =	vmul.f32 v7, v34;
	v7 =	vld [tilespmem:$0x1FB70];
	_ =	sdelay $0x1  }
0x239: {  	v9 =	vadd.f32 v12, v9  }
0x23a: {  	v13 =	vmul.f32 v28, v13  }
0x23b: {  	v9 =	vadd.f32 v20, v9;
	v14 =	vld.idx.msk [tilespmem:v16+s13+$0x0], $0xffff;
	v8 =	vmul.f32 v8, v32;
	v11 =	vmul.f32 v15, v11  }
0x23c: {  	v2 =	vadd.f32 v13, v2;
	v13 =	vmul.f32 v27, v7;
	v7 =	vld [tilespmem:$0x1FB90]  }
0x23d: {  	v8 =	vadd.f32 v8, v9;
	v9 =	vadd.f32 v11, v10;
	v11 =	vld [tilespmem:$0x1FBA0];
	_ =	sdelay $0x3  }
0x23e: {  	v18 =	vor.u32 $0x8, v6;
	v36 =	vld.idx.msk [tilespmem:v56+s13+$0x0], $0xffff  }
0x23f: {  	v10 =	vmul.f32 v14, v7;
	v14 =	vmul.f32 v46, v11;
	v11 =	vld [tilespmem:$0x1FBB0];
	_ =	sdelay $0x3  }
0x240: {  	v19 =	vor.u32 $0x1E, v30;
	v12 =	vld.idx.msk [tilespmem:v18+s13+$0x0], $0xffff;
	v21 =	vor.u32 $0xF, v30  }
0x241: {  	v2 =	vadd.f32 v13, v2;
	v13 =	vmul.f32 v36, v11;
	v36 =	vadd.f32 v17, v8;
	v8 =	vld [tilespmem:$0x1FBC0]  }
0x242: {  	v47 =	vmovc v60;
	v60 =	vor.u32 $0x13, v6;
	v24 =	vor.u32 $0xE, v6;
	v25 =	vor.u32 $0x10, v6  }
0x243: {  	v38 =	vmovc v59;
	v39 =	vmovc v52;
	v26 =	vor.u32 $0x11, v6;
	v3 =	vor.u32 $0x12, v6;
	v59 =	vor.u32 $0x15, v6  }
0x244: {  	v42 =	vmovc v50;
	v40 =	vmovc v48;
	v52 =	vor.u32 $0x16, v6;
	v50 =	vor.u32 $0x17, v6;
	v48 =	vor.u32 $0x18, v6  }
0x245: {  	v37 =	vmovc v54;
	v54 =	vor.u32 $0x19, v6;
	v57 =	vor.u32 $0x1A, v6;
	v62 =	vor.u32 $0x1B, v6;
	v15 =	vld.idx.msk [tilespmem:v21+s13+$0x0], $0xffff  }
0x246: {  	v33 =	vor.u32 $0x1C, v6;
	v0 =	vor.u32 $0x1D, v6;
	v12 =	vmul.f32 v12, v8;
	v8 =	vld [tilespmem:$0x1FBE0]  }
0x247: {  	v16 =	vor.u32 $0x1F, v30;
	v9 =	vadd.f32 v10, v9;
	v10 =	vor.u32 $0x14, v30;
	v30 =	vmovc v6;
	v6 =	vld [tilespmem:$0x1FBF0];
	_ =	sdelay $0x2  }
0x248: {  	v60 =	vld.idx.msk [tilespmem:v60+s13+$0x0], $0xffff  }
0x249: {  	v7 =	vld.idx.msk [tilespmem:v61+s13+$0x0], $0xffff;
	v61 =	vmul.f32 v45, v8  }
0x24a: {  	p0 =	sne.s32 s22, $0x31;
	v8 =	vadd.f32 v13, v2;
	v2 =	vadd.f32 v12, v9;
	v12 =	vmul.f32 v15, v6;
	v6 =	vld [tilespmem:$0x1FC00]  }
.Ltmp1:
0x24b: {  	v32 =	vld.idx.msk [tilespmem:v16+s13+$0x0], $0xffff;
	(pc) =	sbr.rel @p0 .LBB2_5-.Ltmp1, $4  }
0x24c: {  	v46 =	vld.idx.msk [tilespmem:v1+s13+$0x0], $0xffff  }
0x24d: {  	v5 =	vmov s21;
	v11 =	vld.idx.msk [tilespmem:v58+s13+$0x0], $0xffff;
	v13 =	vadd.f32 v14, v36  }
0x24e: {  	s24 =	smov.u32 s22;
	v56 =	vmov v24;
	v1 =	vand.u32 $0x3F, v5;
	v45 =	vld.idx.msk [tilespmem:v19+s13+$0x0], $0xffff  }
0x24f: {  	s22 =	sadd.s32 $0x1, s22;
	s21 =	smov.u32 s24;
	v58 =	vmovc v26;
	v9 =	vld.idx.msk [tilespmem:v63+s13+$0x0], $0xffff;
	v6 =	vmul.f32 v4, v6;
	v4 =	vadd.f32 v61, v13;
	v61 =	vmov v25  }
0x250: {  	_ =	sdelay $0x3  }
0x251: {  	v13 =	vld.idx.msk [tilespmem:v49+s13+$0x0], $0xffff  }
0x252: {  	v14 =	vld.idx.msk [tilespmem:v51+s13+$0x0], $0xffff  }
0x253: {  	v15 =	vld [tilespmem:$0x1FA90]  }
0x254: {  	v51 =	vld.idx.msk [tilespmem:v55+s13+$0x0], $0xffff  }
0x255: {  	v55 =	vld [tilespmem:$0x1FAC0]  }
0x256: {  	v16 =	vld.idx.msk [tilespmem:v53+s13+$0x0], $0xffff  }
0x257: {  	v19 =	vld [tilespmem:$0x1FAF0]  }
0x258: {  	v5 =	vor.u32 $0xA, v30;
	v20 =	vld.idx.msk [tilespmem:v56+s13+$0x0], $0xffff  }
0x259: {  	v21 =	vld [tilespmem:$0x1FB20]  }
0x25a: {  	v22 =	vld [tilespmem:$0x1FB70]  }
0x25b: {  	v23 =	vld.idx.msk [tilespmem:v61+s13+$0x0], $0xffff  }
0x25c: {  	v24 =	vld [tilespmem:$0x1FBB0]  }
0x25d: {  	v5 =	vld.idx.msk [tilespmem:v5+s13+$0x0], $0xffff  }
0x25e: {  	v25 =	vld [tilespmem:$0x1F9E0]  }
0x25f: {  	v26 =	vld.idx.msk [tilespmem:v58+s13+$0x0], $0xffff  }
0x260: {  	v27 =	vld [tilespmem:$0x1FBF0];
	v13 =	vmul.f32 v13, v15  }
0x261: {  	v29 =	vld [tilespmem:$0x1F9F0]  }
0x262: {  	v63 =	vor.u32 $0xF, v30;
	v3 =	vld.idx.msk [tilespmem:v3+s13+$0x0], $0xffff;
	v2 =	vadd.f32 v13, v2;
	v5 =	vmul.f32 v5, v55  }
0x263: {  	v10 =	vld.idx.msk [tilespmem:v10+s13+$0x0], $0xffff  }
0x264: {  	v36 =	vld [tilespmem:$0x1FA00];
	v2 =	vadd.f32 v5, v2;
	v5 =	vmul.f32 v14, v19  }
0x265: {  	v53 =	vld.idx.msk [tilespmem:v38+s13+$0x0], $0xffff  }
0x266: {  	v61 =	vld.idx.msk [tilespmem:v39+s13+$0x0], $0xffff;
	v2 =	vadd.f32 v5, v2;
	v5 =	vmul.f32 v51, v21  }
0x267: {  	v13 =	vld.idx.msk [tilespmem:v63+s13+$0x0], $0xffff  }
0x268: {  	v17 =	vld.idx.msk [tilespmem:v59+s13+$0x0], $0xffff;
	v2 =	vadd.f32 v5, v2;
	v5 =	vmul.f32 v16, v22  }
0x269: {  	v18 =	vld [tilespmem:$0x1FA30]  }
0x26a: {  	v28 =	vor.u32 $0x14, v30;
	v38 =	vld.idx.msk [tilespmem:v57+s13+$0x0], $0xffff;
	v2 =	vadd.f32 v5, v2;
	v5 =	vmul.f32 v20, v24  }
0x26b: {  	v39 =	vld.idx.msk [tilespmem:v41+s13+$0x0], $0xffff  }
0x26c: {  	v41 =	vld [tilespmem:$0x1FB00];
	v2 =	vadd.f32 v5, v2;
	v5 =	vmul.f32 v13, v27  }
0x26d: {  	v8 =	vadd.f32 v12, v8;
	v0 =	vld.idx.msk [tilespmem:v0+s13+$0x0], $0xffff;
	v7 =	vmul.f32 v7, v25  }
0x26e: {  	v34 =	vmul.f32 v23, v25;
	v55 =	vld [tilespmem:$0x1FA10];
	v2 =	vadd.f32 v5, v2  }
0x26f: {  	v31 =	vmul.f32 v11, v29;
	v58 =	vld.idx.msk [tilespmem:v28+s13+$0x0], $0xffff;
	v7 =	vadd.f32 v7, v8  }
0x270: {  	v63 =	vld [tilespmem:$0x1FA20];
	v51 =	vmul.f32 v26, v29;
	v2 =	vadd.f32 v34, v2  }
0x271: {  	v49 =	vmul.f32 v9, v36;
	v23 =	vld.idx.msk [tilespmem:v50+s13+$0x0], $0xffff;
	v7 =	vadd.f32 v31, v7  }
0x272: {  	v3 =	vmul.f32 v3, v36;
	v25 =	vld [tilespmem:$0x1FA70];
	v2 =	vadd.f32 v51, v2  }
0x273: {  	v28 =	vld [tilespmem:$0x1FAA0];
	v7 =	vadd.f32 v49, v7;
	v56 =	vmul.f32 v47, v55  }
0x274: {  	v12 =	vmul.f32 v60, v55;
	v22 =	vld [tilespmem:$0x1FA50];
	v2 =	vadd.f32 v3, v2  }
0x275: {  	v16 =	vmul.f32 v10, v63;
	v7 =	vadd.f32 v56, v7;
	v20 =	vld.idx.msk [tilespmem:v52+s13+$0x0], $0xffff  }
0x276: {  	v11 =	vmul.f32 v58, v63;
	v3 =	vld.idx.msk [tilespmem:v42+s13+$0x0], $0xffff;
	v2 =	vadd.f32 v12, v2  }
0x277: {  	v36 =	vld [tilespmem:$0x1FAD0];
	v19 =	vmul.f32 v53, v18;
	v7 =	vadd.f32 v16, v7  }
0x278: {  	v21 =	vld.idx.msk [tilespmem:v40+s13+$0x0], $0xffff;
	v10 =	vmul.f32 v17, v18;
	v2 =	vadd.f32 v11, v2  }
0x279: {  	v26 =	vld.idx.msk [tilespmem:v48+s13+$0x0], $0xffff;
	v7 =	vadd.f32 v19, v7;
	v5 =	vmul.f32 v61, v22  }
0x27a: {  	v24 =	vld.idx.msk [tilespmem:v37+s13+$0x0], $0xffff;
	v9 =	vmul.f32 v20, v22;
	v2 =	vadd.f32 v10, v2  }
0x27b: {  	v31 =	vld.idx.msk [tilespmem:v54+s13+$0x0], $0xffff;
	v5 =	vadd.f32 v5, v7;
	v3 =	vmul.f32 v3, v25  }
0x27c: {  	v8 =	vmul.f32 v23, v25;
	v27 =	vld.idx.msk [tilespmem:v44+s13+$0x0], $0xffff;
	v2 =	vadd.f32 v9, v2  }
0x27d: {  	v29 =	vmul.f32 v21, v28;
	v34 =	vld.idx.msk [tilespmem:v43+s13+$0x0], $0xffff;
	v3 =	vadd.f32 v3, v5  }
0x27e: {  	v7 =	vmul.f32 v26, v28;
	v43 =	vld [tilespmem:$0x1FB40];
	v2 =	vadd.f32 v8, v2  }
0x27f: {  	v37 =	vmul.f32 v24, v36;
	v42 =	vld.idx.msk [tilespmem:v62+s13+$0x0], $0xffff;
	v3 =	vadd.f32 v29, v3  }
0x280: {  	v50 =	vld [tilespmem:$0x1FB60];
	v40 =	vor.u32 $0x1E, v30;
	v12 =	vmul.f32 v31, v36;
	v2 =	vadd.f32 v7, v2  }
0x281: {  	v47 =	vld.idx.msk [tilespmem:v33+s13+$0x0], $0xffff;
	v10 =	vmul.f32 v27, v41;
	v3 =	vadd.f32 v37, v3  }
0x282: {  	v54 =	vld [tilespmem:$0x1FBA0];
	v49 =	vor.u32 $0x1F, v30;
	v48 =	vmul.f32 v38, v41;
	v2 =	vadd.f32 v12, v2  }
0x283: {  	v57 =	vld [tilespmem:$0x1FBE0];
	v44 =	vmul.f32 v34, v43;
	v3 =	vadd.f32 v10, v3  }
0x284: {  	v60 =	vld [tilespmem:$0x1FB30];
	v52 =	vmul.f32 v42, v43;
	v2 =	vadd.f32 v48, v2  }
0x285: {  	v51 =	vmul.f32 v39, v50;
	v5 =	vld.idx.msk [tilespmem:v40+s13+$0x0], $0xffff;
	v3 =	vadd.f32 v44, v3  }
0x286: {  	v53 =	vmul.f32 v47, v50;
	v61 =	vld [tilespmem:$0x1FC00];
	v2 =	vadd.f32 v52, v2  }
0x287: {  	v55 =	vmul.f32 v46, v54;
	v56 =	vld.idx.msk [tilespmem:v49+s13+$0x0], $0xffff;
	v3 =	vadd.f32 v51, v3  }
0x288: {  	v59 =	vmov s21;
	v0 =	vmul.f32 v0, v54;
	v2 =	vadd.f32 v53, v2  }
0x289: {  	v58 =	vmul.f32 v45, v57;
	v1 =	vadd.s32 v60, v1;
	v3 =	vadd.f32 v55, v3  }
0x28a: {  	v5 =	vmul.f32 v5, v57;
	v0 =	vadd.f32 v0, v2;
	v2 =	vand.u32 $0x3F, v59  }
0x28b: {  	v62 =	vmul.f32 v32, v61;
	v3 =	vadd.f32 v58, v3;
	v2 =	vadd.s32 v60, v2  }
0x28c: {  	v4 =	vadd.f32 v6, v4;
	v63 =	vmul.f32 v56, v61;
	v0 =	vadd.f32 v5, v0  }
0x28d: {  	v3 =	vadd.f32 v62, v3  }
0x28e: {  	s20 =	smul.u32 $0x7, s20;
	[tilespmem:v35+s18+$0x0] =	vst.idx.msk $0xffff, v4;
	v0 =	vadd.f32 v63, v0  }
0x28f: {  	s23 =	rddreg [dreg:$0x3];
	s19 =	sadd.s32 $0x1, s19;
	[tilespmem:v1+s18+$0x0] =	vst.idx.msk $0xffff, v3  }
0x290: {  	s24 =	simm.s32 $0x0;
	p0 =	sne.s32 s19, $0x10;
	s20 =	sadd.s32 s23, s20;
	[tilespmem:v2+s18+$0x0] =	vst.idx.msk $0xffff, v0  }
0x291: {  	[hbm4b:s20+s24] =	stream.linear.scatter [tilespmem:s18], [sflag:$0x3], $0x700, $0x38;
	[tilespmem:$0xD960] =	vst v63  }
.Ltmp2:
0x292: {  	_ = 	snop;
	(pc) =	sbr.rel @p0 .LBB2_2-.Ltmp2, $4  }
0x293: {  	_ =	swait.ge [sflag:s10], $0x700  }
0x294: {  	v2 =	vld [tilespmem:$0x1FFD0]  }
0x295: {  	[sflag:s10] =	ssyncset.done $0x0;
	v57 =	vld [tilespmem:$0x1FFF0]  }
0x296: {  	v58 =	vld [tilespmem:$0x1FFE0];
	[sflag:s10] =	ssyncadd.s32 $0xFFFFF900  }
0x297: {  	s20 =	rddreg [dreg:$0x6]  }
0x298: {  	s19 =	rddreg [dreg:$0x5];
	s20 =	sadd.s32 $0x1, s20  }
0x299: {  	p0 =	sne.s32 s20, s19  }
.Ltmp3:
0x29a: {  	_ = 	snop;
	(pc) =	sbr.rel @p0 .LBB2_1-.Ltmp3, $1  }
0x29b: {  	_ =	sdelay $0x3  }
0x29c: {  	_ =	sfence.sel $0x180000  }
0x29d: {  	[bflag:$0x0] =	sbarrier.arrive $0xFFFF  }
0x29e: {  	_ =	strace $0x90000047  }
0x29f: {  	s0 =	stileid.u32;
	[bflag:$0x2] =	sbarrier.arrive $0xFFFF  }
0x2a0: {  	p0 =	sne.s32 s0, $0x0;
	s0 =	rddreg [dreg:$0x4]  }
0x2a1: {  	s0 =	sadd.s32 @!p0 $0x100000, s0  }
0x2a2: {  	[sflag:s0] =	ssyncadd.tile.s32 @!p0 $0x1;
	_ =	shalt  }
.Lfunc_end2:
_tile_overlayer_lowered:
.L_overlay_start_2:
0x2a3: {  	(tag) =	ssettag $0x2  }
0x2a4: {  	s0 =	rddreg [dreg:$0x0];
	s2 =	stileid.u32  }
0x2a5: {  	s1 =	rddreg [dreg:$0x1];
	p0 =	sne.s32 s2, $0x0  }
0x2a6: {  	s3 =	rddreg [dreg:$0x2];
	[bflag:$0x3] =	sbarrier.arrive $0xFFFF;
	s2 =	simm.s32 @!p0 $0x1C03  }
0x2a7: {  	[timem:s3], [sflag:s2] =	dma.local @!p0 [hbm:s0], s1  }
0x2a8: {  	s0 =	simm.s32 @!p0 $0x3  }
0x2a9: {  	_ =	swait.ge @!p0 [sflag:s0], s1  }
0x2aa: {  	s1 =	ssub.s32 @!p0 $0x0, s1;
	[sflag:s0] =	ssyncset.done @!p0 $0x0  }
0x2ab: {  	[sflag:s0] =	ssyncadd.s32 @!p0 s1  }
0x2ac: {  	[bflag:$0x3] =	sbarrier.arrive $0xFFFF  }
0x2ad: {  	_ =	shalt  }

</sc_bundles>
